<compile_context>
chip_gen: v7x
topology: tpu7x:2x2x1
jax: 0.10.2.dev20260603
libtpu: 0.0.44.dev20260713+nightly
codegen_flags: <defaults>
</compile_context>

<pallas_src>
import functools

import jax
import jax.numpy as jnp
from jax import lax
from jax.experimental import pallas as pl
from jax.experimental.pallas import tpu as pltpu
from jax.experimental.pallas import tpu_sc as plsc

_NC, _NS = 2, 16
_NW = _NC * _NS
_SC_CH = 32
_TC_BLK = 512
_TC_ROWS = 5120


def _sc_body(w_hbm, o_hbm, buf, in_sem, out_sem):
    bsz = o_hbm.shape[0]
    sc_rows = o_hbm.shape[1]
    rows_per_w = sc_rows // _NW
    nch = rows_per_w // _SC_CH
    wid = lax.axis_index("s") * _NC + lax.axis_index("c")
    base = wid * rows_per_w

    def in_copy(k, slot):
        return pltpu.make_async_copy(
            w_hbm.at[pl.ds(_TC_ROWS + base + k * _SC_CH, _SC_CH), :],
            buf.at[slot],
            in_sem.at[slot],
        )

    def out_copy(b, k, slot):
        return pltpu.make_async_copy(
            buf.at[slot],
            o_hbm.at[b, pl.ds(base + k * _SC_CH, _SC_CH), :],
            out_sem.at[slot, b],
        )

    for k in range(nch):
        slot = k % 2
        if k >= 2:
            for b in range(bsz):
                out_copy(b, k - 2, slot).wait()
        cp = in_copy(k, slot)
        cp.start()
        cp.wait()
        for b in range(bsz):
            out_copy(b, k, slot).start()
    for k in range(max(nch - 2, 0), nch):
        for b in range(bsz):
            out_copy(b, k, k % 2).wait()


def _tc_bcast(w_ref, o_ref):
    o_ref[...] = jnp.broadcast_to(w_ref[...][None, :, :], o_ref.shape)


def kernel(input, embedding_weight):
    bsz, seq_len = input.shape
    d = embedding_weight.shape[1]
    dt = embedding_weight.dtype
    sc_rows = seq_len - _TC_ROWS

    sc_run = pl.kernel(
        _sc_body,
        out_type=jax.ShapeDtypeStruct((bsz, sc_rows, d), dt),
        mesh=plsc.VectorSubcoreMesh(
            core_axis_name="c", subcore_axis_name="s",
            num_cores=_NC, num_subcores=_NS,
        ),
        scratch_types=[
            pltpu.MemorySpace.VMEM((2, _SC_CH, d), dt),
            pltpu.SemaphoreType.DMA((2,)),
            pltpu.SemaphoreType.DMA((2, bsz)),
        ],
    )
    sc_out = sc_run(embedding_weight)

    tc_out = pl.pallas_call(
        _tc_bcast,
        grid=(_TC_ROWS // _TC_BLK,),
        in_specs=[pl.BlockSpec((_TC_BLK, d), lambda i: (i, 0))],
        out_specs=pl.BlockSpec((bsz, _TC_BLK, d), lambda i: (0, i, 0)),
        out_shape=jax.ShapeDtypeStruct((bsz, _TC_ROWS, d), dt),
    )(embedding_weight)

    return tc_out.at[0, 0, 0].set(sc_out[0, 0, 0])

# --- scband reference (transcript-rebuilt; emitter-appended) ---
"""Pipeline reference for scband-learned-positional-encoder-50989851738416 (READ-ONLY COPY).

The authoritative reference and input builder live on the scoring server;
editing this copy changes nothing except your own understanding.
"""

import jax, jax.numpy as jnp
import numpy as np

D_MODEL = 1024
MAX_LEN = 8192
BSZ = 4
SEQ_LEN = 8192

def setup_inputs(seed: int = 0) -> dict:
    key = jax.random.key(seed)
    k1, k2 = jax.random.split(key)
    inp = jax.random.randint(k1, (BSZ, SEQ_LEN), 0, 1000, dtype=jnp.int64 if jax.config.jax_enable_x64 else jnp.int32)
    embedding_weight = jax.random.normal(k2, (MAX_LEN, D_MODEL), dtype=jnp.float32) * 0.02
    return {"input": inp, "embedding_weight": embedding_weight}

def reference(input, embedding_weight):
    # Faithful translation of LearnedPositionalEncoder.forward (offset=0)
    bsz, seq_len = input.shape
    positions = 0 + jnp.arange(seq_len)
    emb = jnp.take(embedding_weight, positions, axis=0)          # [seq_len, d_model]
    emb = emb[:, None, :]                                        # unsqueeze(1) -> [seq_len, 1, d_model]
    emb = jnp.broadcast_to(emb, (seq_len, bsz, emb.shape[-1]))   # expand(-1, bsz, -1)
    res = jnp.swapaxes(emb, 0, 1)                                # transpose(0, 1) -> [bsz, seq_len, d_model]
    return res

if __name__ == "__main__":
    import jax
    _d = setup_inputs()
    print(jax.jit(kernel)(*tuple(_d.values())))

</pallas_src>

<mosaic_0001>
#map = affine_map<(d0, d1) -> (0, 0)>
#map1 = affine_map<(d0, d1) -> (0, 0, 0)>
module attributes {stable_mosaic.version = 14 : i64} {
  func.func @_sc_body(%arg0: i32, %arg1: i32, %arg2: memref<8192x1024xf32, #tpu.memory_space<hbm>>, %arg3: memref<4x3072x1024xf32, #tpu.memory_space<hbm>>, %arg4: memref<2x32x1024xf32, #tpu.memory_space<vmem>>, %arg5: memref<2x!tpu.dma_semaphore, #tpu.memory_space<semaphore_mem>>, %arg6: memref<2x4x!tpu.dma_semaphore, #tpu.memory_space<semaphore_mem>>) attributes {dimension_semantics = [#tpu.dimension_semantics<core_parallel>, #tpu.dimension_semantics<subcore_parallel>], iteration_bounds = array<i64: 2, 16>, scalar_prefetch = 0 : i64, scratch_operands = 3 : i64, tpu.core_type = #tpu.core_type<sc_vector_subcore>, window_params = [{transform_indices = #map}, {transform_indices = #map1}]} {
    %mul3A = arith.constant 2 : i32
    %mul3A_0 = arith.muli %arg1, %mul3A : i32
    %add3A = arith.addi %mul3A_0, %arg0 : i32
    %mul3A_1 = arith.constant 96 : i32
    %mul3A_2 = arith.muli %add3A, %mul3A_1 : i32
    %add3A_3 = arith.constant 5120 : i32
    %add3A_4 = arith.addi %add3A_3, %mul3A_2 : i32
    %add3A_5 = arith.constant 0 : i32
    %add3A_6 = arith.addi %add3A_4, %add3A_5 : i32
    %dma_start3A = arith.constant 0 : i32
    %dma_start3A_7 = arith.constant 0 : i32
    %dma_start3A_8 = arith.constant 0 : i32
    %dma_start3A_9 = arith.constant 0 : i32
    %dma_start3A_10 = tpu.memref_slice %arg4[%dma_start3A, %dma_start3A_8, %dma_start3A_9] : memref<2x32x1024xf32, #tpu.memory_space<vmem>> -> memref<1x32x1024xf32, #tpu.memory_space<vmem>>
    %dma_start3A_11 = tpu.memref_squeeze %dma_start3A_10 : memref<1x32x1024xf32, #tpu.memory_space<vmem>> -> memref<32x1024xf32, #tpu.memory_space<vmem>>
    %dma_start3A_12 = arith.constant 0 : i32
    %dma_start3A_13 = tpu.memref_slice %arg2[%add3A_6, %dma_start3A_12] : memref<8192x1024xf32, #tpu.memory_space<hbm>> -> memref<32x1024xf32, #tpu.memory_space<hbm>>
    %dma_start3A_14 = tpu.memref_slice %arg5[%dma_start3A_7] : memref<2x!tpu.dma_semaphore, #tpu.memory_space<semaphore_mem>> -> memref<1x!tpu.dma_semaphore, #tpu.memory_space<semaphore_mem>>
    %dma_start3A_15 = tpu.memref_squeeze %dma_start3A_14 : memref<1x!tpu.dma_semaphore, #tpu.memory_space<semaphore_mem>> -> memref<!tpu.dma_semaphore, #tpu.memory_space<semaphore_mem>>
    %dma_start3A_16 = arith.constant 0 : i32
    %dma_start3A_17 = arith.constant 0 : i32
    %dma_start3A_18 = tpu.memref_slice %arg4[%dma_start3A, %dma_start3A_16, %dma_start3A_17] : memref<2x32x1024xf32, #tpu.memory_space<vmem>> -> memref<1x32x1024xf32, #tpu.memory_space<vmem>>
    %dma_start3A_19 = tpu.memref_squeeze %dma_start3A_18 : memref<1x32x1024xf32, #tpu.memory_space<vmem>> -> memref<32x1024xf32, #tpu.memory_space<vmem>>
    %dma_start3A_20 = arith.constant 0 : i32
    %dma_start3A_21 = tpu.memref_slice %arg2[%add3A_6, %dma_start3A_20] : memref<8192x1024xf32, #tpu.memory_space<hbm>> -> memref<32x1024xf32, #tpu.memory_space<hbm>>
    tpu.enqueue_dma source(%dma_start3A_21 : memref<32x1024xf32, #tpu.memory_space<hbm>>) target(%dma_start3A_19 : memref<32x1024xf32, #tpu.memory_space<vmem>>) target_semaphore(%dma_start3A_15 : memref<!tpu.dma_semaphore, #tpu.memory_space<semaphore_mem>>)
    %dma_wait3A = arith.constant 0 : i32
    %dma_wait3A_22 = arith.constant 0 : i32
    %dma_wait3A_23 = arith.constant 0 : i32
    %dma_wait3A_24 = arith.constant 0 : i32
    %dma_wait3A_25 = tpu.memref_slice %arg4[%dma_wait3A, %dma_wait3A_23, %dma_wait3A_24] : memref<2x32x1024xf32, #tpu.memory_space<vmem>> -> memref<1x32x1024xf32, #tpu.memory_space<vmem>>
    %dma_wait3A_26 = tpu.memref_squeeze %dma_wait3A_25 : memref<1x32x1024xf32, #tpu.memory_space<vmem>> -> memref<32x1024xf32, #tpu.memory_space<vmem>>
    %dma_wait3A_27 = arith.constant 0 : i32
    %dma_wait3A_28 = tpu.memref_slice %arg2[%add3A_6, %dma_wait3A_27] : memref<8192x1024xf32, #tpu.memory_space<hbm>> -> memref<32x1024xf32, #tpu.memory_space<hbm>>
    %dma_wait3A_29 = tpu.memref_slice %arg5[%dma_wait3A_22] : memref<2x!tpu.dma_semaphore, #tpu.memory_space<semaphore_mem>> -> memref<1x!tpu.dma_semaphore, #tpu.memory_space<semaphore_mem>>
    %dma_wait3A_30 = tpu.memref_squeeze %dma_wait3A_29 : memref<1x!tpu.dma_semaphore, #tpu.memory_space<semaphore_mem>> -> memref<!tpu.dma_semaphore, #tpu.memory_space<semaphore_mem>>
    %dma_wait3A_31 = arith.constant 0 : i32
    %dma_wait3A_32 = arith.constant 0 : i32
    %dma_wait3A_33 = tpu.memref_slice %arg4[%dma_wait3A, %dma_wait3A_31, %dma_wait3A_32] : memref<2x32x1024xf32, #tpu.memory_space<vmem>> -> memref<1x32x1024xf32, #tpu.memory_space<vmem>>
    %dma_wait3A_34 = tpu.memref_squeeze %dma_wait3A_33 : memref<1x32x1024xf32, #tpu.memory_space<vmem>> -> memref<32x1024xf32, #tpu.memory_space<vmem>>
    %dma_wait3A_35 = arith.constant 0 : i32
    %dma_wait3A_36 = tpu.memref_slice %arg2[%add3A_6, %dma_wait3A_35] : memref<8192x1024xf32, #tpu.memory_space<hbm>> -> memref<32x1024xf32, #tpu.memory_space<hbm>>
    tpu.wait_dma2 semaphore(%dma_wait3A_30 : memref<!tpu.dma_semaphore, #tpu.memory_space<semaphore_mem>>) src(%dma_wait3A_36 : memref<32x1024xf32, #tpu.memory_space<hbm>>) dst(%dma_wait3A_34 : memref<32x1024xf32, #tpu.memory_space<vmem>>)
    %add3A_37 = arith.constant 0 : i32
    %add3A_38 = arith.addi %mul3A_2, %add3A_37 : i32
    %dma_start3A_39 = arith.constant 0 : i32
    %dma_start3A_40 = arith.constant 0 : i32
    %dma_start3A_41 = arith.constant 0 : i32
    %dma_start3A_42 = arith.constant 0 : i32
    %dma_start3A_43 = arith.constant 0 : i32
    %dma_start3A_44 = arith.constant 0 : i32
    %dma_start3A_45 = tpu.memref_slice %arg4[%dma_start3A_39, %dma_start3A_43, %dma_start3A_44] : memref<2x32x1024xf32, #tpu.memory_space<vmem>> -> memref<1x32x1024xf32, #tpu.memory_space<vmem>>
    %dma_start3A_46 = tpu.memref_squeeze %dma_start3A_45 : memref<1x32x1024xf32, #tpu.memory_space<vmem>> -> memref<32x1024xf32, #tpu.memory_space<vmem>>
    %dma_start3A_47 = arith.constant 0 : i32
    %dma_start3A_48 = tpu.memref_slice %arg3[%dma_start3A_40, %add3A_38, %dma_start3A_47] : memref<4x3072x1024xf32, #tpu.memory_space<hbm>> -> memref<1x32x1024xf32, #tpu.memory_space<hbm>>
    %dma_start3A_49 = tpu.memref_squeeze %dma_start3A_48 : memref<1x32x1024xf32, #tpu.memory_space<hbm>> -> memref<32x1024xf32, #tpu.memory_space<hbm>>
    %dma_start3A_50 = tpu.memref_slice %arg6[%dma_start3A_41, %dma_start3A_42] : memref<2x4x!tpu.dma_semaphore, #tpu.memory_space<semaphore_mem>> -> memref<1x1x!tpu.dma_semaphore, #tpu.memory_space<semaphore_mem>>
    %dma_start3A_51 = tpu.memref_squeeze %dma_start3A_50 : memref<1x1x!tpu.dma_semaphore, #tpu.memory_space<semaphore_mem>> -> memref<!tpu.dma_semaphore, #tpu.memory_space<semaphore_mem>>
    %dma_start3A_52 = arith.constant 0 : i32
    %dma_start3A_53 = tpu.memref_slice %arg3[%dma_start3A_40, %add3A_38, %dma_start3A_52] : memref<4x3072x1024xf32, #tpu.memory_space<hbm>> -> memref<1x32x1024xf32, #tpu.memory_space<hbm>>
    %dma_start3A_54 = tpu.memref_squeeze %dma_start3A_53 : memref<1x32x1024xf32, #tpu.memory_space<hbm>> -> memref<32x1024xf32, #tpu.memory_space<hbm>>
    %dma_start3A_55 = arith.constant 0 : i32
    %dma_start3A_56 = arith.constant 0 : i32
    %dma_start3A_57 = tpu.memref_slice %arg4[%dma_start3A_39, %dma_start3A_55, %dma_start3A_56] : memref<2x32x1024xf32, #tpu.memory_space<vmem>> -> memref<1x32x1024xf32, #tpu.memory_space<vmem>>
    %dma_start3A_58 = tpu.memref_squeeze %dma_start3A_57 : memref<1x32x1024xf32, #tpu.memory_space<vmem>> -> memref<32x1024xf32, #tpu.memory_space<vmem>>
    tpu.enqueue_dma source(%dma_start3A_58 : memref<32x1024xf32, #tpu.memory_space<vmem>>) target(%dma_start3A_54 : memref<32x1024xf32, #tpu.memory_space<hbm>>) target_semaphore(%dma_start3A_51 : memref<!tpu.dma_semaphore, #tpu.memory_space<semaphore_mem>>)
    %add3A_59 = arith.constant 0 : i32
    %add3A_60 = arith.addi %mul3A_2, %add3A_59 : i32
    %dma_start3A_61 = arith.constant 0 : i32
    %dma_start3A_62 = arith.constant 1 : i32
    %dma_start3A_63 = arith.constant 0 : i32
    %dma_start3A_64 = arith.constant 1 : i32
    %dma_start3A_65 = arith.constant 0 : i32
    %dma_start3A_66 = arith.constant 0 : i32
    %dma_start3A_67 = tpu.memref_slice %arg4[%dma_start3A_61, %dma_start3A_65, %dma_start3A_66] : memref<2x32x1024xf32, #tpu.memory_space<vmem>> -> memref<1x32x1024xf32, #tpu.memory_space<vmem>>
    %dma_start3A_68 = tpu.memref_squeeze %dma_start3A_67 : memref<1x32x1024xf32, #tpu.memory_space<vmem>> -> memref<32x1024xf32, #tpu.memory_space<vmem>>
    %dma_start3A_69 = arith.constant 0 : i32
    %dma_start3A_70 = tpu.memref_slice %arg3[%dma_start3A_62, %add3A_60, %dma_start3A_69] : memref<4x3072x1024xf32, #tpu.memory_space<hbm>> -> memref<1x32x1024xf32, #tpu.memory_space<hbm>>
    %dma_start3A_71 = tpu.memref_squeeze %dma_start3A_70 : memref<1x32x1024xf32, #tpu.memory_space<hbm>> -> memref<32x1024xf32, #tpu.memory_space<hbm>>
    %dma_start3A_72 = tpu.memref_slice %arg6[%dma_start3A_63, %dma_start3A_64] : memref<2x4x!tpu.dma_semaphore, #tpu.memory_space<semaphore_mem>> -> memref<1x1x!tpu.dma_semaphore, #tpu.memory_space<semaphore_mem>>
    %dma_start3A_73 = tpu.memref_squeeze %dma_start3A_72 : memref<1x1x!tpu.dma_semaphore, #tpu.memory_space<semaphore_mem>> -> memref<!tpu.dma_semaphore, #tpu.memory_space<semaphore_mem>>
    %dma_start3A_74 = arith.constant 0 : i32
    %dma_start3A_75 = tpu.memref_slice %arg3[%dma_start3A_62, %add3A_60, %dma_start3A_74] : memref<4x3072x1024xf32, #tpu.memory_space<hbm>> -> memref<1x32x1024xf32, #tpu.memory_space<hbm>>
    %dma_start3A_76 = tpu.memref_squeeze %dma_start3A_75 : memref<1x32x1024xf32, #tpu.memory_space<hbm>> -> memref<32x1024xf32, #tpu.memory_space<hbm>>
    %dma_start3A_77 = arith.constant 0 : i32
    %dma_start3A_78 = arith.constant 0 : i32
    %dma_start3A_79 = tpu.memref_slice %arg4[%dma_start3A_61, %dma_start3A_77, %dma_start3A_78] : memref<2x32x1024xf32, #tpu.memory_space<vmem>> -> memref<1x32x1024xf32, #tpu.memory_space<vmem>>
    %dma_start3A_80 = tpu.memref_squeeze %dma_start3A_79 : memref<1x32x1024xf32, #tpu.memory_space<vmem>> -> memref<32x1024xf32, #tpu.memory_space<vmem>>
    tpu.enqueue_dma source(%dma_start3A_80 : memref<32x1024xf32, #tpu.memory_space<vmem>>) target(%dma_start3A_76 : memref<32x1024xf32, #tpu.memory_space<hbm>>) target_semaphore(%dma_start3A_73 : memref<!tpu.dma_semaphore, #tpu.memory_space<semaphore_mem>>)
    %add3A_81 = arith.constant 0 : i32
    %add3A_82 = arith.addi %mul3A_2, %add3A_81 : i32
    %dma_start3A_83 = arith.constant 0 : i32
    %dma_start3A_84 = arith.constant 2 : i32
    %dma_start3A_85 = arith.constant 0 : i32
    %dma_start3A_86 = arith.constant 2 : i32
    %dma_start3A_87 = arith.constant 0 : i32
    %dma_start3A_88 = arith.constant 0 : i32
    %dma_start3A_89 = tpu.memref_slice %arg4[%dma_start3A_83, %dma_start3A_87, %dma_start3A_88] : memref<2x32x1024xf32, #tpu.memory_space<vmem>> -> memref<1x32x1024xf32, #tpu.memory_space<vmem>>
    %dma_start3A_90 = tpu.memref_squeeze %dma_start3A_89 : memref<1x32x1024xf32, #tpu.memory_space<vmem>> -> memref<32x1024xf32, #tpu.memory_space<vmem>>
    %dma_start3A_91 = arith.constant 0 : i32
    %dma_start3A_92 = tpu.memref_slice %arg3[%dma_start3A_84, %add3A_82, %dma_start3A_91] : memref<4x3072x1024xf32, #tpu.memory_space<hbm>> -> memref<1x32x1024xf32, #tpu.memory_space<hbm>>
    %dma_start3A_93 = tpu.memref_squeeze %dma_start3A_92 : memref<1x32x1024xf32, #tpu.memory_space<hbm>> -> memref<32x1024xf32, #tpu.memory_space<hbm>>
    %dma_start3A_94 = tpu.memref_slice %arg6[%dma_start3A_85, %dma_start3A_86] : memref<2x4x!tpu.dma_semaphore, #tpu.memory_space<semaphore_mem>> -> memref<1x1x!tpu.dma_semaphore, #tpu.memory_space<semaphore_mem>>
    %dma_start3A_95 = tpu.memref_squeeze %dma_start3A_94 : memref<1x1x!tpu.dma_semaphore, #tpu.memory_space<semaphore_mem>> -> memref<!tpu.dma_semaphore, #tpu.memory_space<semaphore_mem>>
    %dma_start3A_96 = arith.constant 0 : i32
    %dma_start3A_97 = tpu.memref_slice %arg3[%dma_start3A_84, %add3A_82, %dma_start3A_96] : memref<4x3072x1024xf32, #tpu.memory_space<hbm>> -> memref<1x32x1024xf32, #tpu.memory_space<hbm>>
    %dma_start3A_98 = tpu.memref_squeeze %dma_start3A_97 : memref<1x32x1024xf32, #tpu.memory_space<hbm>> -> memref<32x1024xf32, #tpu.memory_space<hbm>>
    %dma_start3A_99 = arith.constant 0 : i32
    %dma_start3A_100 = arith.constant 0 : i32
    %dma_start3A_101 = tpu.memref_slice %arg4[%dma_start3A_83, %dma_start3A_99, %dma_start3A_100] : memref<2x32x1024xf32, #tpu.memory_space<vmem>> -> memref<1x32x1024xf32, #tpu.memory_space<vmem>>
    %dma_start3A_102 = tpu.memref_squeeze %dma_start3A_101 : memref<1x32x1024xf32, #tpu.memory_space<vmem>> -> memref<32x1024xf32, #tpu.memory_space<vmem>>
    tpu.enqueue_dma source(%dma_start3A_102 : memref<32x1024xf32, #tpu.memory_space<vmem>>) target(%dma_start3A_98 : memref<32x1024xf32, #tpu.memory_space<hbm>>) target_semaphore(%dma_start3A_95 : memref<!tpu.dma_semaphore, #tpu.memory_space<semaphore_mem>>)
    %add3A_103 = arith.constant 0 : i32
    %add3A_104 = arith.addi %mul3A_2, %add3A_103 : i32
    %dma_start3A_105 = arith.constant 0 : i32
    %dma_start3A_106 = arith.constant 3 : i32
    %dma_start3A_107 = arith.constant 0 : i32
    %dma_start3A_108 = arith.constant 3 : i32
    %dma_start3A_109 = arith.constant 0 : i32
    %dma_start3A_110 = arith.constant 0 : i32
    %dma_start3A_111 = tpu.memref_slice %arg4[%dma_start3A_105, %dma_start3A_109, %dma_start3A_110] : memref<2x32x1024xf32, #tpu.memory_space<vmem>> -> memref<1x32x1024xf32, #tpu.memory_space<vmem>>
    %dma_start3A_112 = tpu.memref_squeeze %dma_start3A_111 : memref<1x32x1024xf32, #tpu.memory_space<vmem>> -> memref<32x1024xf32, #tpu.memory_space<vmem>>
    %dma_start3A_113 = arith.constant 0 : i32
    %dma_start3A_114 = tpu.memref_slice %arg3[%dma_start3A_106, %add3A_104, %dma_start3A_113] : memref<4x3072x1024xf32, #tpu.memory_space<hbm>> -> memref<1x32x1024xf32, #tpu.memory_space<hbm>>
    %dma_start3A_115 = tpu.memref_squeeze %dma_start3A_114 : memref<1x32x1024xf32, #tpu.memory_space<hbm>> -> memref<32x1024xf32, #tpu.memory_space<hbm>>
    %dma_start3A_116 = tpu.memref_slice %arg6[%dma_start3A_107, %dma_start3A_108] : memref<2x4x!tpu.dma_semaphore, #tpu.memory_space<semaphore_mem>> -> memref<1x1x!tpu.dma_semaphore, #tpu.memory_space<semaphore_mem>>
    %dma_start3A_117 = tpu.memref_squeeze %dma_start3A_116 : memref<1x1x!tpu.dma_semaphore, #tpu.memory_space<semaphore_mem>> -> memref<!tpu.dma_semaphore, #tpu.memory_space<semaphore_mem>>
    %dma_start3A_118 = arith.constant 0 : i32
    %dma_start3A_119 = tpu.memref_slice %arg3[%dma_start3A_106, %add3A_104, %dma_start3A_118] : memref<4x3072x1024xf32, #tpu.memory_space<hbm>> -> memref<1x32x1024xf32, #tpu.memory_space<hbm>>
    %dma_start3A_120 = tpu.memref_squeeze %dma_start3A_119 : memref<1x32x1024xf32, #tpu.memory_space<hbm>> -> memref<32x1024xf32, #tpu.memory_space<hbm>>
    %dma_start3A_121 = arith.constant 0 : i32
    %dma_start3A_122 = arith.constant 0 : i32
    %dma_start3A_123 = tpu.memref_slice %arg4[%dma_start3A_105, %dma_start3A_121, %dma_start3A_122] : memref<2x32x1024xf32, #tpu.memory_space<vmem>> -> memref<1x32x1024xf32, #tpu.memory_space<vmem>>
    %dma_start3A_124 = tpu.memref_squeeze %dma_start3A_123 : memref<1x32x1024xf32, #tpu.memory_space<vmem>> -> memref<32x1024xf32, #tpu.memory_space<vmem>>
    tpu.enqueue_dma source(%dma_start3A_124 : memref<32x1024xf32, #tpu.memory_space<vmem>>) target(%dma_start3A_120 : memref<32x1024xf32, #tpu.memory_space<hbm>>) target_semaphore(%dma_start3A_117 : memref<!tpu.dma_semaphore, #tpu.memory_space<semaphore_mem>>)
    %add3A_125 = arith.constant 5120 : i32
    %add3A_126 = arith.addi %add3A_125, %mul3A_2 : i32
    %add3A_127 = arith.constant 32 : i32
    %add3A_128 = arith.addi %add3A_126, %add3A_127 : i32
    %dma_start3A_129 = arith.constant 1 : i32
    %dma_start3A_130 = arith.constant 1 : i32
    %dma_start3A_131 = arith.constant 0 : i32
    %dma_start3A_132 = arith.constant 0 : i32
    %dma_start3A_133 = tpu.memref_slice %arg4[%dma_start3A_129, %dma_start3A_131, %dma_start3A_132] : memref<2x32x1024xf32, #tpu.memory_space<vmem>> -> memref<1x32x1024xf32, #tpu.memory_space<vmem>>
    %dma_start3A_134 = tpu.memref_squeeze %dma_start3A_133 : memref<1x32x1024xf32, #tpu.memory_space<vmem>> -> memref<32x1024xf32, #tpu.memory_space<vmem>>
    %dma_start3A_135 = arith.constant 0 : i32
    %dma_start3A_136 = tpu.memref_slice %arg2[%add3A_128, %dma_start3A_135] : memref<8192x1024xf32, #tpu.memory_space<hbm>> -> memref<32x1024xf32, #tpu.memory_space<hbm>>
    %dma_start3A_137 = tpu.memref_slice %arg5[%dma_start3A_130] : memref<2x!tpu.dma_semaphore, #tpu.memory_space<semaphore_mem>> -> memref<1x!tpu.dma_semaphore, #tpu.memory_space<semaphore_mem>>
    %dma_start3A_138 = tpu.memref_squeeze %dma_start3A_137 : memref<1x!tpu.dma_semaphore, #tpu.memory_space<semaphore_mem>> -> memref<!tpu.dma_semaphore, #tpu.memory_space<semaphore_mem>>
    %dma_start3A_139 = arith.constant 0 : i32
    %dma_start3A_140 = arith.constant 0 : i32
    %dma_start3A_141 = tpu.memref_slice %arg4[%dma_start3A_129, %dma_start3A_139, %dma_start3A_140] : memref<2x32x1024xf32, #tpu.memory_space<vmem>> -> memref<1x32x1024xf32, #tpu.memory_space<vmem>>
    %dma_start3A_142 = tpu.memref_squeeze %dma_start3A_141 : memref<1x32x1024xf32, #tpu.memory_space<vmem>> -> memref<32x1024xf32, #tpu.memory_space<vmem>>
    %dma_start3A_143 = arith.constant 0 : i32
    %dma_start3A_144 = tpu.memref_slice %arg2[%add3A_128, %dma_start3A_143] : memref<8192x1024xf32, #tpu.memory_space<hbm>> -> memref<32x1024xf32, #tpu.memory_space<hbm>>
    tpu.enqueue_dma source(%dma_start3A_144 : memref<32x1024xf32, #tpu.memory_space<hbm>>) target(%dma_start3A_142 : memref<32x1024xf32, #tpu.memory_space<vmem>>) target_semaphore(%dma_start3A_138 : memref<!tpu.dma_semaphore, #tpu.memory_space<semaphore_mem>>)
    %dma_wait3A_145 = arith.constant 1 : i32
    %dma_wait3A_146 = arith.constant 1 : i32
    %dma_wait3A_147 = arith.constant 0 : i32
    %dma_wait3A_148 = arith.constant 0 : i32
    %dma_wait3A_149 = tpu.memref_slice %arg4[%dma_wait3A_145, %dma_wait3A_147, %dma_wait3A_148] : memref<2x32x1024xf32, #tpu.memory_space<vmem>> -> memref<1x32x1024xf32, #tpu.memory_space<vmem>>
    %dma_wait3A_150 = tpu.memref_squeeze %dma_wait3A_149 : memref<1x32x1024xf32, #tpu.memory_space<vmem>> -> memref<32x1024xf32, #tpu.memory_space<vmem>>
    %dma_wait3A_151 = arith.constant 0 : i32
    %dma_wait3A_152 = tpu.memref_slice %arg2[%add3A_128, %dma_wait3A_151] : memref<8192x1024xf32, #tpu.memory_space<hbm>> -> memref<32x1024xf32, #tpu.memory_space<hbm>>
    %dma_wait3A_153 = tpu.memref_slice %arg5[%dma_wait3A_146] : memref<2x!tpu.dma_semaphore, #tpu.memory_space<semaphore_mem>> -> memref<1x!tpu.dma_semaphore, #tpu.memory_space<semaphore_mem>>
    %dma_wait3A_154 = tpu.memref_squeeze %dma_wait3A_153 : memref<1x!tpu.dma_semaphore, #tpu.memory_space<semaphore_mem>> -> memref<!tpu.dma_semaphore, #tpu.memory_space<semaphore_mem>>
    %dma_wait3A_155 = arith.constant 0 : i32
    %dma_wait3A_156 = arith.constant 0 : i32
    %dma_wait3A_157 = tpu.memref_slice %arg4[%dma_wait3A_145, %dma_wait3A_155, %dma_wait3A_156] : memref<2x32x1024xf32, #tpu.memory_space<vmem>> -> memref<1x32x1024xf32, #tpu.memory_space<vmem>>
    %dma_wait3A_158 = tpu.memref_squeeze %dma_wait3A_157 : memref<1x32x1024xf32, #tpu.memory_space<vmem>> -> memref<32x1024xf32, #tpu.memory_space<vmem>>
    %dma_wait3A_159 = arith.constant 0 : i32
    %dma_wait3A_160 = tpu.memref_slice %arg2[%add3A_128, %dma_wait3A_159] : memref<8192x1024xf32, #tpu.memory_space<hbm>> -> memref<32x1024xf32, #tpu.memory_space<hbm>>
    tpu.wait_dma2 semaphore(%dma_wait3A_154 : memref<!tpu.dma_semaphore, #tpu.memory_space<semaphore_mem>>) src(%dma_wait3A_160 : memref<32x1024xf32, #tpu.memory_space<hbm>>) dst(%dma_wait3A_158 : memref<32x1024xf32, #tpu.memory_space<vmem>>)
    %add3A_161 = arith.constant 32 : i32
    %add3A_162 = arith.addi %mul3A_2, %add3A_161 : i32
    %dma_start3A_163 = arith.constant 1 : i32
    %dma_start3A_164 = arith.constant 0 : i32
    %dma_start3A_165 = arith.constant 1 : i32
    %dma_start3A_166 = arith.constant 0 : i32
    %dma_start3A_167 = arith.constant 0 : i32
    %dma_start3A_168 = arith.constant 0 : i32
    %dma_start3A_169 = tpu.memref_slice %arg4[%dma_start3A_163, %dma_start3A_167, %dma_start3A_168] : memref<2x32x1024xf32, #tpu.memory_space<vmem>> -> memref<1x32x1024xf32, #tpu.memory_space<vmem>>
    %dma_start3A_170 = tpu.memref_squeeze %dma_start3A_169 : memref<1x32x1024xf32, #tpu.memory_space<vmem>> -> memref<32x1024xf32, #tpu.memory_space<vmem>>
    %dma_start3A_171 = arith.constant 0 : i32
    %dma_start3A_172 = tpu.memref_slice %arg3[%dma_start3A_164, %add3A_162, %dma_start3A_171] : memref<4x3072x1024xf32, #tpu.memory_space<hbm>> -> memref<1x32x1024xf32, #tpu.memory_space<hbm>>
    %dma_start3A_173 = tpu.memref_squeeze %dma_start3A_172 : memref<1x32x1024xf32, #tpu.memory_space<hbm>> -> memref<32x1024xf32, #tpu.memory_space<hbm>>
    %dma_start3A_174 = tpu.memref_slice %arg6[%dma_start3A_165, %dma_start3A_166] : memref<2x4x!tpu.dma_semaphore, #tpu.memory_space<semaphore_mem>> -> memref<1x1x!tpu.dma_semaphore, #tpu.memory_space<semaphore_mem>>
    %dma_start3A_175 = tpu.memref_squeeze %dma_start3A_174 : memref<1x1x!tpu.dma_semaphore, #tpu.memory_space<semaphore_mem>> -> memref<!tpu.dma_semaphore, #tpu.memory_space<semaphore_mem>>
    %dma_start3A_176 = arith.constant 0 : i32
    %dma_start3A_177 = tpu.memref_slice %arg3[%dma_start3A_164, %add3A_162, %dma_start3A_176] : memref<4x3072x1024xf32, #tpu.memory_space<hbm>> -> memref<1x32x1024xf32, #tpu.memory_space<hbm>>
    %dma_start3A_178 = tpu.memref_squeeze %dma_start3A_177 : memref<1x32x1024xf32, #tpu.memory_space<hbm>> -> memref<32x1024xf32, #tpu.memory_space<hbm>>
    %dma_start3A_179 = arith.constant 0 : i32
    %dma_start3A_180 = arith.constant 0 : i32
    %dma_start3A_181 = tpu.memref_slice %arg4[%dma_start3A_163, %dma_start3A_179, %dma_start3A_180] : memref<2x32x1024xf32, #tpu.memory_space<vmem>> -> memref<1x32x1024xf32, #tpu.memory_space<vmem>>
    %dma_start3A_182 = tpu.memref_squeeze %dma_start3A_181 : memref<1x32x1024xf32, #tpu.memory_space<vmem>> -> memref<32x1024xf32, #tpu.memory_space<vmem>>
    tpu.enqueue_dma source(%dma_start3A_182 : memref<32x1024xf32, #tpu.memory_space<vmem>>) target(%dma_start3A_178 : memref<32x1024xf32, #tpu.memory_space<hbm>>) target_semaphore(%dma_start3A_175 : memref<!tpu.dma_semaphore, #tpu.memory_space<semaphore_mem>>)
    %add3A_183 = arith.constant 32 : i32
    %add3A_184 = arith.addi %mul3A_2, %add3A_183 : i32
    %dma_start3A_185 = arith.constant 1 : i32
    %dma_start3A_186 = arith.constant 1 : i32
    %dma_start3A_187 = arith.constant 1 : i32
    %dma_start3A_188 = arith.constant 1 : i32
    %dma_start3A_189 = arith.constant 0 : i32
    %dma_start3A_190 = arith.constant 0 : i32
    %dma_start3A_191 = tpu.memref_slice %arg4[%dma_start3A_185, %dma_start3A_189, %dma_start3A_190] : memref<2x32x1024xf32, #tpu.memory_space<vmem>> -> memref<1x32x1024xf32, #tpu.memory_space<vmem>>
    %dma_start3A_192 = tpu.memref_squeeze %dma_start3A_191 : memref<1x32x1024xf32, #tpu.memory_space<vmem>> -> memref<32x1024xf32, #tpu.memory_space<vmem>>
    %dma_start3A_193 = arith.constant 0 : i32
    %dma_start3A_194 = tpu.memref_slice %arg3[%dma_start3A_186, %add3A_184, %dma_start3A_193] : memref<4x3072x1024xf32, #tpu.memory_space<hbm>> -> memref<1x32x1024xf32, #tpu.memory_space<hbm>>
    %dma_start3A_195 = tpu.memref_squeeze %dma_start3A_194 : memref<1x32x1024xf32, #tpu.memory_space<hbm>> -> memref<32x1024xf32, #tpu.memory_space<hbm>>
    %dma_start3A_196 = tpu.memref_slice %arg6[%dma_start3A_187, %dma_start3A_188] : memref<2x4x!tpu.dma_semaphore, #tpu.memory_space<semaphore_mem>> -> memref<1x1x!tpu.dma_semaphore, #tpu.memory_space<semaphore_mem>>
    %dma_start3A_197 = tpu.memref_squeeze %dma_start3A_196 : memref<1x1x!tpu.dma_semaphore, #tpu.memory_space<semaphore_mem>> -> memref<!tpu.dma_semaphore, #tpu.memory_space<semaphore_mem>>
    %dma_start3A_198 = arith.constant 0 : i32
    %dma_start3A_199 = tpu.memref_slice %arg3[%dma_start3A_186, %add3A_184, %dma_start3A_198] : memref<4x3072x1024xf32, #tpu.memory_space<hbm>> -> memref<1x32x1024xf32, #tpu.memory_space<hbm>>
    %dma_start3A_200 = tpu.memref_squeeze %dma_start3A_199 : memref<1x32x1024xf32, #tpu.memory_space<hbm>> -> memref<32x1024xf32, #tpu.memory_space<hbm>>
    %dma_start3A_201 = arith.constant 0 : i32
    %dma_start3A_202 = arith.constant 0 : i32
    %dma_start3A_203 = tpu.memref_slice %arg4[%dma_start3A_185, %dma_start3A_201, %dma_start3A_202] : memref<2x32x1024xf32, #tpu.memory_space<vmem>> -> memref<1x32x1024xf32, #tpu.memory_space<vmem>>
    %dma_start3A_204 = tpu.memref_squeeze %dma_start3A_203 : memref<1x32x1024xf32, #tpu.memory_space<vmem>> -> memref<32x1024xf32, #tpu.memory_space<vmem>>
    tpu.enqueue_dma source(%dma_start3A_204 : memref<32x1024xf32, #tpu.memory_space<vmem>>) target(%dma_start3A_200 : memref<32x1024xf32, #tpu.memory_space<hbm>>) target_semaphore(%dma_start3A_197 : memref<!tpu.dma_semaphore, #tpu.memory_space<semaphore_mem>>)
    %add3A_205 = arith.constant 32 : i32
    %add3A_206 = arith.addi %mul3A_2, %add3A_205 : i32
    %dma_start3A_207 = arith.constant 1 : i32
    %dma_start3A_208 = arith.constant 2 : i32
    %dma_start3A_209 = arith.constant 1 : i32
    %dma_start3A_210 = arith.constant 2 : i32
    %dma_start3A_211 = arith.constant 0 : i32
    %dma_start3A_212 = arith.constant 0 : i32
    %dma_start3A_213 = tpu.memref_slice %arg4[%dma_start3A_207, %dma_start3A_211, %dma_start3A_212] : memref<2x32x1024xf32, #tpu.memory_space<vmem>> -> memref<1x32x1024xf32, #tpu.memory_space<vmem>>
    %dma_start3A_214 = tpu.memref_squeeze %dma_start3A_213 : memref<1x32x1024xf32, #tpu.memory_space<vmem>> -> memref<32x1024xf32, #tpu.memory_space<vmem>>
    %dma_start3A_215 = arith.constant 0 : i32
    %dma_start3A_216 = tpu.memref_slice %arg3[%dma_start3A_208, %add3A_206, %dma_start3A_215] : memref<4x3072x1024xf32, #tpu.memory_space<hbm>> -> memref<1x32x1024xf32, #tpu.memory_space<hbm>>
    %dma_start3A_217 = tpu.memref_squeeze %dma_start3A_216 : memref<1x32x1024xf32, #tpu.memory_space<hbm>> -> memref<32x1024xf32, #tpu.memory_space<hbm>>
    %dma_start3A_218 = tpu.memref_slice %arg6[%dma_start3A_209, %dma_start3A_210] : memref<2x4x!tpu.dma_semaphore, #tpu.memory_space<semaphore_mem>> -> memref<1x1x!tpu.dma_semaphore, #tpu.memory_space<semaphore_mem>>
    %dma_start3A_219 = tpu.memref_squeeze %dma_start3A_218 : memref<1x1x!tpu.dma_semaphore, #tpu.memory_space<semaphore_mem>> -> memref<!tpu.dma_semaphore, #tpu.memory_space<semaphore_mem>>
    %dma_start3A_220 = arith.constant 0 : i32
    %dma_start3A_221 = tpu.memref_slice %arg3[%dma_start3A_208, %add3A_206, %dma_start3A_220] : memref<4x3072x1024xf32, #tpu.memory_space<hbm>> -> memref<1x32x1024xf32, #tpu.memory_space<hbm>>
    %dma_start3A_222 = tpu.memref_squeeze %dma_start3A_221 : memref<1x32x1024xf32, #tpu.memory_space<hbm>> -> memref<32x1024xf32, #tpu.memory_space<hbm>>
    %dma_start3A_223 = arith.constant 0 : i32
    %dma_start3A_224 = arith.constant 0 : i32
    %dma_start3A_225 = tpu.memref_slice %arg4[%dma_start3A_207, %dma_start3A_223, %dma_start3A_224] : memref<2x32x1024xf32, #tpu.memory_space<vmem>> -> memref<1x32x1024xf32, #tpu.memory_space<vmem>>
    %dma_start3A_226 = tpu.memref_squeeze %dma_start3A_225 : memref<1x32x1024xf32, #tpu.memory_space<vmem>> -> memref<32x1024xf32, #tpu.memory_space<vmem>>
    tpu.enqueue_dma source(%dma_start3A_226 : memref<32x1024xf32, #tpu.memory_space<vmem>>) target(%dma_start3A_222 : memref<32x1024xf32, #tpu.memory_space<hbm>>) target_semaphore(%dma_start3A_219 : memref<!tpu.dma_semaphore, #tpu.memory_space<semaphore_mem>>)
    %add3A_227 = arith.constant 32 : i32
    %add3A_228 = arith.addi %mul3A_2, %add3A_227 : i32
    %dma_start3A_229 = arith.constant 1 : i32
    %dma_start3A_230 = arith.constant 3 : i32
    %dma_start3A_231 = arith.constant 1 : i32
    %dma_start3A_232 = arith.constant 3 : i32
    %dma_start3A_233 = arith.constant 0 : i32
    %dma_start3A_234 = arith.constant 0 : i32
    %dma_start3A_235 = tpu.memref_slice %arg4[%dma_start3A_229, %dma_start3A_233, %dma_start3A_234] : memref<2x32x1024xf32, #tpu.memory_space<vmem>> -> memref<1x32x1024xf32, #tpu.memory_space<vmem>>
    %dma_start3A_236 = tpu.memref_squeeze %dma_start3A_235 : memref<1x32x1024xf32, #tpu.memory_space<vmem>> -> memref<32x1024xf32, #tpu.memory_space<vmem>>
    %dma_start3A_237 = arith.constant 0 : i32
    %dma_start3A_238 = tpu.memref_slice %arg3[%dma_start3A_230, %add3A_228, %dma_start3A_237] : memref<4x3072x1024xf32, #tpu.memory_space<hbm>> -> memref<1x32x1024xf32, #tpu.memory_space<hbm>>
    %dma_start3A_239 = tpu.memref_squeeze %dma_start3A_238 : memref<1x32x1024xf32, #tpu.memory_space<hbm>> -> memref<32x1024xf32, #tpu.memory_space<hbm>>
    %dma_start3A_240 = tpu.memref_slice %arg6[%dma_start3A_231, %dma_start3A_232] : memref<2x4x!tpu.dma_semaphore, #tpu.memory_space<semaphore_mem>> -> memref<1x1x!tpu.dma_semaphore, #tpu.memory_space<semaphore_mem>>
    %dma_start3A_241 = tpu.memref_squeeze %dma_start3A_240 : memref<1x1x!tpu.dma_semaphore, #tpu.memory_space<semaphore_mem>> -> memref<!tpu.dma_semaphore, #tpu.memory_space<semaphore_mem>>
    %dma_start3A_242 = arith.constant 0 : i32
    %dma_start3A_243 = tpu.memref_slice %arg3[%dma_start3A_230, %add3A_228, %dma_start3A_242] : memref<4x3072x1024xf32, #tpu.memory_space<hbm>> -> memref<1x32x1024xf32, #tpu.memory_space<hbm>>
    %dma_start3A_244 = tpu.memref_squeeze %dma_start3A_243 : memref<1x32x1024xf32, #tpu.memory_space<hbm>> -> memref<32x1024xf32, #tpu.memory_space<hbm>>
    %dma_start3A_245 = arith.constant 0 : i32
    %dma_start3A_246 = arith.constant 0 : i32
    %dma_start3A_247 = tpu.memref_slice %arg4[%dma_start3A_229, %dma_start3A_245, %dma_start3A_246] : memref<2x32x1024xf32, #tpu.memory_space<vmem>> -> memref<1x32x1024xf32, #tpu.memory_space<vmem>>
    %dma_start3A_248 = tpu.memref_squeeze %dma_start3A_247 : memref<1x32x1024xf32, #tpu.memory_space<vmem>> -> memref<32x1024xf32, #tpu.memory_space<vmem>>
    tpu.enqueue_dma source(%dma_start3A_248 : memref<32x1024xf32, #tpu.memory_space<vmem>>) target(%dma_start3A_244 : memref<32x1024xf32, #tpu.memory_space<hbm>>) target_semaphore(%dma_start3A_241 : memref<!tpu.dma_semaphore, #tpu.memory_space<semaphore_mem>>)
    %add3A_249 = arith.constant 0 : i32
    %add3A_250 = arith.addi %mul3A_2, %add3A_249 : i32
    %dma_wait3A_251 = arith.constant 0 : i32
    %dma_wait3A_252 = arith.constant 0 : i32
    %dma_wait3A_253 = arith.constant 0 : i32
    %dma_wait3A_254 = arith.constant 0 : i32
    %dma_wait3A_255 = arith.constant 0 : i32
    %dma_wait3A_256 = arith.constant 0 : i32
    %dma_wait3A_257 = tpu.memref_slice %arg4[%dma_wait3A_251, %dma_wait3A_255, %dma_wait3A_256] : memref<2x32x1024xf32, #tpu.memory_space<vmem>> -> memref<1x32x1024xf32, #tpu.memory_space<vmem>>
    %dma_wait3A_258 = tpu.memref_squeeze %dma_wait3A_257 : memref<1x32x1024xf32, #tpu.memory_space<vmem>> -> memref<32x1024xf32, #tpu.memory_space<vmem>>
    %dma_wait3A_259 = arith.constant 0 : i32
    %dma_wait3A_260 = tpu.memref_slice %arg3[%dma_wait3A_252, %add3A_250, %dma_wait3A_259] : memref<4x3072x1024xf32, #tpu.memory_space<hbm>> -> memref<1x32x1024xf32, #tpu.memory_space<hbm>>
    %dma_wait3A_261 = tpu.memref_squeeze %dma_wait3A_260 : memref<1x32x1024xf32, #tpu.memory_space<hbm>> -> memref<32x1024xf32, #tpu.memory_space<hbm>>
    %dma_wait3A_262 = tpu.memref_slice %arg6[%dma_wait3A_253, %dma_wait3A_254] : memref<2x4x!tpu.dma_semaphore, #tpu.memory_space<semaphore_mem>> -> memref<1x1x!tpu.dma_semaphore, #tpu.memory_space<semaphore_mem>>
    %dma_wait3A_263 = tpu.memref_squeeze %dma_wait3A_262 : memref<1x1x!tpu.dma_semaphore, #tpu.memory_space<semaphore_mem>> -> memref<!tpu.dma_semaphore, #tpu.memory_space<semaphore_mem>>
    %dma_wait3A_264 = arith.constant 0 : i32
    %dma_wait3A_265 = tpu.memref_slice %arg3[%dma_wait3A_252, %add3A_250, %dma_wait3A_264] : memref<4x3072x1024xf32, #tpu.memory_space<hbm>> -> memref<1x32x1024xf32, #tpu.memory_space<hbm>>
    %dma_wait3A_266 = tpu.memref_squeeze %dma_wait3A_265 : memref<1x32x1024xf32, #tpu.memory_space<hbm>> -> memref<32x1024xf32, #tpu.memory_space<hbm>>
    %dma_wait3A_267 = arith.constant 0 : i32
    %dma_wait3A_268 = arith.constant 0 : i32
    %dma_wait3A_269 = tpu.memref_slice %arg4[%dma_wait3A_251, %dma_wait3A_267, %dma_wait3A_268] : memref<2x32x1024xf32, #tpu.memory_space<vmem>> -> memref<1x32x1024xf32, #tpu.memory_space<vmem>>
    %dma_wait3A_270 = tpu.memref_squeeze %dma_wait3A_269 : memref<1x32x1024xf32, #tpu.memory_space<vmem>> -> memref<32x1024xf32, #tpu.memory_space<vmem>>
    tpu.wait_dma2 semaphore(%dma_wait3A_263 : memref<!tpu.dma_semaphore, #tpu.memory_space<semaphore_mem>>) src(%dma_wait3A_270 : memref<32x1024xf32, #tpu.memory_space<vmem>>) dst(%dma_wait3A_266 : memref<32x1024xf32, #tpu.memory_space<hbm>>)
    %add3A_271 = arith.constant 0 : i32
    %add3A_272 = arith.addi %mul3A_2, %add3A_271 : i32
    %dma_wait3A_273 = arith.constant 0 : i32
    %dma_wait3A_274 = arith.constant 1 : i32
    %dma_wait3A_275 = arith.constant 0 : i32
    %dma_wait3A_276 = arith.constant 1 : i32
    %dma_wait3A_277 = arith.constant 0 : i32
    %dma_wait3A_278 = arith.constant 0 : i32
    %dma_wait3A_279 = tpu.memref_slice %arg4[%dma_wait3A_273, %dma_wait3A_277, %dma_wait3A_278] : memref<2x32x1024xf32, #tpu.memory_space<vmem>> -> memref<1x32x1024xf32, #tpu.memory_space<vmem>>
    %dma_wait3A_280 = tpu.memref_squeeze %dma_wait3A_279 : memref<1x32x1024xf32, #tpu.memory_space<vmem>> -> memref<32x1024xf32, #tpu.memory_space<vmem>>
    %dma_wait3A_281 = arith.constant 0 : i32
    %dma_wait3A_282 = tpu.memref_slice %arg3[%dma_wait3A_274, %add3A_272, %dma_wait3A_281] : memref<4x3072x1024xf32, #tpu.memory_space<hbm>> -> memref<1x32x1024xf32, #tpu.memory_space<hbm>>
    %dma_wait3A_283 = tpu.memref_squeeze %dma_wait3A_282 : memref<1x32x1024xf32, #tpu.memory_space<hbm>> -> memref<32x1024xf32, #tpu.memory_space<hbm>>
    %dma_wait3A_284 = tpu.memref_slice %arg6[%dma_wait3A_275, %dma_wait3A_276] : memref<2x4x!tpu.dma_semaphore, #tpu.memory_space<semaphore_mem>> -> memref<1x1x!tpu.dma_semaphore, #tpu.memory_space<semaphore_mem>>
    %dma_wait3A_285 = tpu.memref_squeeze %dma_wait3A_284 : memref<1x1x!tpu.dma_semaphore, #tpu.memory_space<semaphore_mem>> -> memref<!tpu.dma_semaphore, #tpu.memory_space<semaphore_mem>>
    %dma_wait3A_286 = arith.constant 0 : i32
    %dma_wait3A_287 = tpu.memref_slice %arg3[%dma_wait3A_274, %add3A_272, %dma_wait3A_286] : memref<4x3072x1024xf32, #tpu.memory_space<hbm>> -> memref<1x32x1024xf32, #tpu.memory_space<hbm>>
    %dma_wait3A_288 = tpu.memref_squeeze %dma_wait3A_287 : memref<1x32x1024xf32, #tpu.memory_space<hbm>> -> memref<32x1024xf32, #tpu.memory_space<hbm>>
    %dma_wait3A_289 = arith.constant 0 : i32
    %dma_wait3A_290 = arith.constant 0 : i32
    %dma_wait3A_291 = tpu.memref_slice %arg4[%dma_wait3A_273, %dma_wait3A_289, %dma_wait3A_290] : memref<2x32x1024xf32, #tpu.memory_space<vmem>> -> memref<1x32x1024xf32, #tpu.memory_space<vmem>>
    %dma_wait3A_292 = tpu.memref_squeeze %dma_wait3A_291 : memref<1x32x1024xf32, #tpu.memory_space<vmem>> -> memref<32x1024xf32, #tpu.memory_space<vmem>>
    tpu.wait_dma2 semaphore(%dma_wait3A_285 : memref<!tpu.dma_semaphore, #tpu.memory_space<semaphore_mem>>) src(%dma_wait3A_292 : memref<32x1024xf32, #tpu.memory_space<vmem>>) dst(%dma_wait3A_288 : memref<32x1024xf32, #tpu.memory_space<hbm>>)
    %add3A_293 = arith.constant 0 : i32
    %add3A_294 = arith.addi %mul3A_2, %add3A_293 : i32
    %dma_wait3A_295 = arith.constant 0 : i32
    %dma_wait3A_296 = arith.constant 2 : i32
    %dma_wait3A_297 = arith.constant 0 : i32
    %dma_wait3A_298 = arith.constant 2 : i32
    %dma_wait3A_299 = arith.constant 0 : i32
    %dma_wait3A_300 = arith.constant 0 : i32
    %dma_wait3A_301 = tpu.memref_slice %arg4[%dma_wait3A_295, %dma_wait3A_299, %dma_wait3A_300] : memref<2x32x1024xf32, #tpu.memory_space<vmem>> -> memref<1x32x1024xf32, #tpu.memory_space<vmem>>
    %dma_wait3A_302 = tpu.memref_squeeze %dma_wait3A_301 : memref<1x32x1024xf32, #tpu.memory_space<vmem>> -> memref<32x1024xf32, #tpu.memory_space<vmem>>
    %dma_wait3A_303 = arith.constant 0 : i32
    %dma_wait3A_304 = tpu.memref_slice %arg3[%dma_wait3A_296, %add3A_294, %dma_wait3A_303] : memref<4x3072x1024xf32, #tpu.memory_space<hbm>> -> memref<1x32x1024xf32, #tpu.memory_space<hbm>>
    %dma_wait3A_305 = tpu.memref_squeeze %dma_wait3A_304 : memref<1x32x1024xf32, #tpu.memory_space<hbm>> -> memref<32x1024xf32, #tpu.memory_space<hbm>>
    %dma_wait3A_306 = tpu.memref_slice %arg6[%dma_wait3A_297, %dma_wait3A_298] : memref<2x4x!tpu.dma_semaphore, #tpu.memory_space<semaphore_mem>> -> memref<1x1x!tpu.dma_semaphore, #tpu.memory_space<semaphore_mem>>
    %dma_wait3A_307 = tpu.memref_squeeze %dma_wait3A_306 : memref<1x1x!tpu.dma_semaphore, #tpu.memory_space<semaphore_mem>> -> memref<!tpu.dma_semaphore, #tpu.memory_space<semaphore_mem>>
    %dma_wait3A_308 = arith.constant 0 : i32
    %dma_wait3A_309 = tpu.memref_slice %arg3[%dma_wait3A_296, %add3A_294, %dma_wait3A_308] : memref<4x3072x1024xf32, #tpu.memory_space<hbm>> -> memref<1x32x1024xf32, #tpu.memory_space<hbm>>
    %dma_wait3A_310 = tpu.memref_squeeze %dma_wait3A_309 : memref<1x32x1024xf32, #tpu.memory_space<hbm>> -> memref<32x1024xf32, #tpu.memory_space<hbm>>
    %dma_wait3A_311 = arith.constant 0 : i32
    %dma_wait3A_312 = arith.constant 0 : i32
    %dma_wait3A_313 = tpu.memref_slice %arg4[%dma_wait3A_295, %dma_wait3A_311, %dma_wait3A_312] : memref<2x32x1024xf32, #tpu.memory_space<vmem>> -> memref<1x32x1024xf32, #tpu.memory_space<vmem>>
    %dma_wait3A_314 = tpu.memref_squeeze %dma_wait3A_313 : memref<1x32x1024xf32, #tpu.memory_space<vmem>> -> memref<32x1024xf32, #tpu.memory_space<vmem>>
    tpu.wait_dma2 semaphore(%dma_wait3A_307 : memref<!tpu.dma_semaphore, #tpu.memory_space<semaphore_mem>>) src(%dma_wait3A_314 : memref<32x1024xf32, #tpu.memory_space<vmem>>) dst(%dma_wait3A_310 : memref<32x1024xf32, #tpu.memory_space<hbm>>)
    %add3A_315 = arith.constant 0 : i32
    %add3A_316 = arith.addi %mul3A_2, %add3A_315 : i32
    %dma_wait3A_317 = arith.constant 0 : i32
    %dma_wait3A_318 = arith.constant 3 : i32
    %dma_wait3A_319 = arith.constant 0 : i32
    %dma_wait3A_320 = arith.constant 3 : i32
    %dma_wait3A_321 = arith.constant 0 : i32
    %dma_wait3A_322 = arith.constant 0 : i32
    %dma_wait3A_323 = tpu.memref_slice %arg4[%dma_wait3A_317, %dma_wait3A_321, %dma_wait3A_322] : memref<2x32x1024xf32, #tpu.memory_space<vmem>> -> memref<1x32x1024xf32, #tpu.memory_space<vmem>>
    %dma_wait3A_324 = tpu.memref_squeeze %dma_wait3A_323 : memref<1x32x1024xf32, #tpu.memory_space<vmem>> -> memref<32x1024xf32, #tpu.memory_space<vmem>>
    %dma_wait3A_325 = arith.constant 0 : i32
    %dma_wait3A_326 = tpu.memref_slice %arg3[%dma_wait3A_318, %add3A_316, %dma_wait3A_325] : memref<4x3072x1024xf32, #tpu.memory_space<hbm>> -> memref<1x32x1024xf32, #tpu.memory_space<hbm>>
    %dma_wait3A_327 = tpu.memref_squeeze %dma_wait3A_326 : memref<1x32x1024xf32, #tpu.memory_space<hbm>> -> memref<32x1024xf32, #tpu.memory_space<hbm>>
    %dma_wait3A_328 = tpu.memref_slice %arg6[%dma_wait3A_319, %dma_wait3A_320] : memref<2x4x!tpu.dma_semaphore, #tpu.memory_space<semaphore_mem>> -> memref<1x1x!tpu.dma_semaphore, #tpu.memory_space<semaphore_mem>>
    %dma_wait3A_329 = tpu.memref_squeeze %dma_wait3A_328 : memref<1x1x!tpu.dma_semaphore, #tpu.memory_space<semaphore_mem>> -> memref<!tpu.dma_semaphore, #tpu.memory_space<semaphore_mem>>
    %dma_wait3A_330 = arith.constant 0 : i32
    %dma_wait3A_331 = tpu.memref_slice %arg3[%dma_wait3A_318, %add3A_316, %dma_wait3A_330] : memref<4x3072x1024xf32, #tpu.memory_space<hbm>> -> memref<1x32x1024xf32, #tpu.memory_space<hbm>>
    %dma_wait3A_332 = tpu.memref_squeeze %dma_wait3A_331 : memref<1x32x1024xf32, #tpu.memory_space<hbm>> -> memref<32x1024xf32, #tpu.memory_space<hbm>>
    %dma_wait3A_333 = arith.constant 0 : i32
    %dma_wait3A_334 = arith.constant 0 : i32
    %dma_wait3A_335 = tpu.memref_slice %arg4[%dma_wait3A_317, %dma_wait3A_333, %dma_wait3A_334] : memref<2x32x1024xf32, #tpu.memory_space<vmem>> -> memref<1x32x1024xf32, #tpu.memory_space<vmem>>
    %dma_wait3A_336 = tpu.memref_squeeze %dma_wait3A_335 : memref<1x32x1024xf32, #tpu.memory_space<vmem>> -> memref<32x1024xf32, #tpu.memory_space<vmem>>
    tpu.wait_dma2 semaphore(%dma_wait3A_329 : memref<!tpu.dma_semaphore, #tpu.memory_space<semaphore_mem>>) src(%dma_wait3A_336 : memref<32x1024xf32, #tpu.memory_space<vmem>>) dst(%dma_wait3A_332 : memref<32x1024xf32, #tpu.memory_space<hbm>>)
    %add3A_337 = arith.constant 5120 : i32
    %add3A_338 = arith.addi %add3A_337, %mul3A_2 : i32
    %add3A_339 = arith.constant 64 : i32
    %add3A_340 = arith.addi %add3A_338, %add3A_339 : i32
    %dma_start3A_341 = arith.constant 0 : i32
    %dma_start3A_342 = arith.constant 0 : i32
    %dma_start3A_343 = arith.constant 0 : i32
    %dma_start3A_344 = arith.constant 0 : i32
    %dma_start3A_345 = tpu.memref_slice %arg4[%dma_start3A_341, %dma_start3A_343, %dma_start3A_344] : memref<2x32x1024xf32, #tpu.memory_space<vmem>> -> memref<1x32x1024xf32, #tpu.memory_space<vmem>>
    %dma_start3A_346 = tpu.memref_squeeze %dma_start3A_345 : memref<1x32x1024xf32, #tpu.memory_space<vmem>> -> memref<32x1024xf32, #tpu.memory_space<vmem>>
    %dma_start3A_347 = arith.constant 0 : i32
    %dma_start3A_348 = tpu.memref_slice %arg2[%add3A_340, %dma_start3A_347] : memref<8192x1024xf32, #tpu.memory_space<hbm>> -> memref<32x1024xf32, #tpu.memory_space<hbm>>
    %dma_start3A_349 = tpu.memref_slice %arg5[%dma_start3A_342] : memref<2x!tpu.dma_semaphore, #tpu.memory_space<semaphore_mem>> -> memref<1x!tpu.dma_semaphore, #tpu.memory_space<semaphore_mem>>
    %dma_start3A_350 = tpu.memref_squeeze %dma_start3A_349 : memref<1x!tpu.dma_semaphore, #tpu.memory_space<semaphore_mem>> -> memref<!tpu.dma_semaphore, #tpu.memory_space<semaphore_mem>>
    %dma_start3A_351 = arith.constant 0 : i32
    %dma_start3A_352 = arith.constant 0 : i32
    %dma_start3A_353 = tpu.memref_slice %arg4[%dma_start3A_341, %dma_start3A_351, %dma_start3A_352] : memref<2x32x1024xf32, #tpu.memory_space<vmem>> -> memref<1x32x1024xf32, #tpu.memory_space<vmem>>
    %dma_start3A_354 = tpu.memref_squeeze %dma_start3A_353 : memref<1x32x1024xf32, #tpu.memory_space<vmem>> -> memref<32x1024xf32, #tpu.memory_space<vmem>>
    %dma_start3A_355 = arith.constant 0 : i32
    %dma_start3A_356 = tpu.memref_slice %arg2[%add3A_340, %dma_start3A_355] : memref<8192x1024xf32, #tpu.memory_space<hbm>> -> memref<32x1024xf32, #tpu.memory_space<hbm>>
    tpu.enqueue_dma source(%dma_start3A_356 : memref<32x1024xf32, #tpu.memory_space<hbm>>) target(%dma_start3A_354 : memref<32x1024xf32, #tpu.memory_space<vmem>>) target_semaphore(%dma_start3A_350 : memref<!tpu.dma_semaphore, #tpu.memory_space<semaphore_mem>>)
    %dma_wait3A_357 = arith.constant 0 : i32
    %dma_wait3A_358 = arith.constant 0 : i32
    %dma_wait3A_359 = arith.constant 0 : i32
    %dma_wait3A_360 = arith.constant 0 : i32
    %dma_wait3A_361 = tpu.memref_slice %arg4[%dma_wait3A_357, %dma_wait3A_359, %dma_wait3A_360] : memref<2x32x1024xf32, #tpu.memory_space<vmem>> -> memref<1x32x1024xf32, #tpu.memory_space<vmem>>
    %dma_wait3A_362 = tpu.memref_squeeze %dma_wait3A_361 : memref<1x32x1024xf32, #tpu.memory_space<vmem>> -> memref<32x1024xf32, #tpu.memory_space<vmem>>
    %dma_wait3A_363 = arith.constant 0 : i32
    %dma_wait3A_364 = tpu.memref_slice %arg2[%add3A_340, %dma_wait3A_363] : memref<8192x1024xf32, #tpu.memory_space<hbm>> -> memref<32x1024xf32, #tpu.memory_space<hbm>>
    %dma_wait3A_365 = tpu.memref_slice %arg5[%dma_wait3A_358] : memref<2x!tpu.dma_semaphore, #tpu.memory_space<semaphore_mem>> -> memref<1x!tpu.dma_semaphore, #tpu.memory_space<semaphore_mem>>
    %dma_wait3A_366 = tpu.memref_squeeze %dma_wait3A_365 : memref<1x!tpu.dma_semaphore, #tpu.memory_space<semaphore_mem>> -> memref<!tpu.dma_semaphore, #tpu.memory_space<semaphore_mem>>
    %dma_wait3A_367 = arith.constant 0 : i32
    %dma_wait3A_368 = arith.constant 0 : i32
    %dma_wait3A_369 = tpu.memref_slice %arg4[%dma_wait3A_357, %dma_wait3A_367, %dma_wait3A_368] : memref<2x32x1024xf32, #tpu.memory_space<vmem>> -> memref<1x32x1024xf32, #tpu.memory_space<vmem>>
    %dma_wait3A_370 = tpu.memref_squeeze %dma_wait3A_369 : memref<1x32x1024xf32, #tpu.memory_space<vmem>> -> memref<32x1024xf32, #tpu.memory_space<vmem>>
    %dma_wait3A_371 = arith.constant 0 : i32
    %dma_wait3A_372 = tpu.memref_slice %arg2[%add3A_340, %dma_wait3A_371] : memref<8192x1024xf32, #tpu.memory_space<hbm>> -> memref<32x1024xf32, #tpu.memory_space<hbm>>
    tpu.wait_dma2 semaphore(%dma_wait3A_366 : memref<!tpu.dma_semaphore, #tpu.memory_space<semaphore_mem>>) src(%dma_wait3A_372 : memref<32x1024xf32, #tpu.memory_space<hbm>>) dst(%dma_wait3A_370 : memref<32x1024xf32, #tpu.memory_space<vmem>>)
    %add3A_373 = arith.constant 64 : i32
    %add3A_374 = arith.addi %mul3A_2, %add3A_373 : i32
    %dma_start3A_375 = arith.constant 0 : i32
    %dma_start3A_376 = arith.constant 0 : i32
    %dma_start3A_377 = arith.constant 0 : i32
    %dma_start3A_378 = arith.constant 0 : i32
    %dma_start3A_379 = arith.constant 0 : i32
    %dma_start3A_380 = arith.constant 0 : i32
    %dma_start3A_381 = tpu.memref_slice %arg4[%dma_start3A_375, %dma_start3A_379, %dma_start3A_380] : memref<2x32x1024xf32, #tpu.memory_space<vmem>> -> memref<1x32x1024xf32, #tpu.memory_space<vmem>>
    %dma_start3A_382 = tpu.memref_squeeze %dma_start3A_381 : memref<1x32x1024xf32, #tpu.memory_space<vmem>> -> memref<32x1024xf32, #tpu.memory_space<vmem>>
    %dma_start3A_383 = arith.constant 0 : i32
    %dma_start3A_384 = tpu.memref_slice %arg3[%dma_start3A_376, %add3A_374, %dma_start3A_383] : memref<4x3072x1024xf32, #tpu.memory_space<hbm>> -> memref<1x32x1024xf32, #tpu.memory_space<hbm>>
    %dma_start3A_385 = tpu.memref_squeeze %dma_start3A_384 : memref<1x32x1024xf32, #tpu.memory_space<hbm>> -> memref<32x1024xf32, #tpu.memory_space<hbm>>
    %dma_start3A_386 = tpu.memref_slice %arg6[%dma_start3A_377, %dma_start3A_378] : memref<2x4x!tpu.dma_semaphore, #tpu.memory_space<semaphore_mem>> -> memref<1x1x!tpu.dma_semaphore, #tpu.memory_space<semaphore_mem>>
    %dma_start3A_387 = tpu.memref_squeeze %dma_start3A_386 : memref<1x1x!tpu.dma_semaphore, #tpu.memory_space<semaphore_mem>> -> memref<!tpu.dma_semaphore, #tpu.memory_space<semaphore_mem>>
    %dma_start3A_388 = arith.constant 0 : i32
    %dma_start3A_389 = tpu.memref_slice %arg3[%dma_start3A_376, %add3A_374, %dma_start3A_388] : memref<4x3072x1024xf32, #tpu.memory_space<hbm>> -> memref<1x32x1024xf32, #tpu.memory_space<hbm>>
    %dma_start3A_390 = tpu.memref_squeeze %dma_start3A_389 : memref<1x32x1024xf32, #tpu.memory_space<hbm>> -> memref<32x1024xf32, #tpu.memory_space<hbm>>
    %dma_start3A_391 = arith.constant 0 : i32
    %dma_start3A_392 = arith.constant 0 : i32
    %dma_start3A_393 = tpu.memref_slice %arg4[%dma_start3A_375, %dma_start3A_391, %dma_start3A_392] : memref<2x32x1024xf32, #tpu.memory_space<vmem>> -> memref<1x32x1024xf32, #tpu.memory_space<vmem>>
    %dma_start3A_394 = tpu.memref_squeeze %dma_start3A_393 : memref<1x32x1024xf32, #tpu.memory_space<vmem>> -> memref<32x1024xf32, #tpu.memory_space<vmem>>
    tpu.enqueue_dma source(%dma_start3A_394 : memref<32x1024xf32, #tpu.memory_space<vmem>>) target(%dma_start3A_390 : memref<32x1024xf32, #tpu.memory_space<hbm>>) target_semaphore(%dma_start3A_387 : memref<!tpu.dma_semaphore, #tpu.memory_space<semaphore_mem>>)
    %add3A_395 = arith.constant 64 : i32
    %add3A_396 = arith.addi %mul3A_2, %add3A_395 : i32
    %dma_start3A_397 = arith.constant 0 : i32
    %dma_start3A_398 = arith.constant 1 : i32
    %dma_start3A_399 = arith.constant 0 : i32
    %dma_start3A_400 = arith.constant 1 : i32
    %dma_start3A_401 = arith.constant 0 : i32
    %dma_start3A_402 = arith.constant 0 : i32
    %dma_start3A_403 = tpu.memref_slice %arg4[%dma_start3A_397, %dma_start3A_401, %dma_start3A_402] : memref<2x32x1024xf32, #tpu.memory_space<vmem>> -> memref<1x32x1024xf32, #tpu.memory_space<vmem>>
    %dma_start3A_404 = tpu.memref_squeeze %dma_start3A_403 : memref<1x32x1024xf32, #tpu.memory_space<vmem>> -> memref<32x1024xf32, #tpu.memory_space<vmem>>
    %dma_start3A_405 = arith.constant 0 : i32
    %dma_start3A_406 = tpu.memref_slice %arg3[%dma_start3A_398, %add3A_396, %dma_start3A_405] : memref<4x3072x1024xf32, #tpu.memory_space<hbm>> -> memref<1x32x1024xf32, #tpu.memory_space<hbm>>
    %dma_start3A_407 = tpu.memref_squeeze %dma_start3A_406 : memref<1x32x1024xf32, #tpu.memory_space<hbm>> -> memref<32x1024xf32, #tpu.memory_space<hbm>>
    %dma_start3A_408 = tpu.memref_slice %arg6[%dma_start3A_399, %dma_start3A_400] : memref<2x4x!tpu.dma_semaphore, #tpu.memory_space<semaphore_mem>> -> memref<1x1x!tpu.dma_semaphore, #tpu.memory_space<semaphore_mem>>
    %dma_start3A_409 = tpu.memref_squeeze %dma_start3A_408 : memref<1x1x!tpu.dma_semaphore, #tpu.memory_space<semaphore_mem>> -> memref<!tpu.dma_semaphore, #tpu.memory_space<semaphore_mem>>
    %dma_start3A_410 = arith.constant 0 : i32
    %dma_start3A_411 = tpu.memref_slice %arg3[%dma_start3A_398, %add3A_396, %dma_start3A_410] : memref<4x3072x1024xf32, #tpu.memory_space<hbm>> -> memref<1x32x1024xf32, #tpu.memory_space<hbm>>
    %dma_start3A_412 = tpu.memref_squeeze %dma_start3A_411 : memref<1x32x1024xf32, #tpu.memory_space<hbm>> -> memref<32x1024xf32, #tpu.memory_space<hbm>>
    %dma_start3A_413 = arith.constant 0 : i32
    %dma_start3A_414 = arith.constant 0 : i32
    %dma_start3A_415 = tpu.memref_slice %arg4[%dma_start3A_397, %dma_start3A_413, %dma_start3A_414] : memref<2x32x1024xf32, #tpu.memory_space<vmem>> -> memref<1x32x1024xf32, #tpu.memory_space<vmem>>
    %dma_start3A_416 = tpu.memref_squeeze %dma_start3A_415 : memref<1x32x1024xf32, #tpu.memory_space<vmem>> -> memref<32x1024xf32, #tpu.memory_space<vmem>>
    tpu.enqueue_dma source(%dma_start3A_416 : memref<32x1024xf32, #tpu.memory_space<vmem>>) target(%dma_start3A_412 : memref<32x1024xf32, #tpu.memory_space<hbm>>) target_semaphore(%dma_start3A_409 : memref<!tpu.dma_semaphore, #tpu.memory_space<semaphore_mem>>)
    %add3A_417 = arith.constant 64 : i32
    %add3A_418 = arith.addi %mul3A_2, %add3A_417 : i32
    %dma_start3A_419 = arith.constant 0 : i32
    %dma_start3A_420 = arith.constant 2 : i32
    %dma_start3A_421 = arith.constant 0 : i32
    %dma_start3A_422 = arith.constant 2 : i32
    %dma_start3A_423 = arith.constant 0 : i32
    %dma_start3A_424 = arith.constant 0 : i32
    %dma_start3A_425 = tpu.memref_slice %arg4[%dma_start3A_419, %dma_start3A_423, %dma_start3A_424] : memref<2x32x1024xf32, #tpu.memory_space<vmem>> -> memref<1x32x1024xf32, #tpu.memory_space<vmem>>
    %dma_start3A_426 = tpu.memref_squeeze %dma_start3A_425 : memref<1x32x1024xf32, #tpu.memory_space<vmem>> -> memref<32x1024xf32, #tpu.memory_space<vmem>>
    %dma_start3A_427 = arith.constant 0 : i32
    %dma_start3A_428 = tpu.memref_slice %arg3[%dma_start3A_420, %add3A_418, %dma_start3A_427] : memref<4x3072x1024xf32, #tpu.memory_space<hbm>> -> memref<1x32x1024xf32, #tpu.memory_space<hbm>>
    %dma_start3A_429 = tpu.memref_squeeze %dma_start3A_428 : memref<1x32x1024xf32, #tpu.memory_space<hbm>> -> memref<32x1024xf32, #tpu.memory_space<hbm>>
    %dma_start3A_430 = tpu.memref_slice %arg6[%dma_start3A_421, %dma_start3A_422] : memref<2x4x!tpu.dma_semaphore, #tpu.memory_space<semaphore_mem>> -> memref<1x1x!tpu.dma_semaphore, #tpu.memory_space<semaphore_mem>>
    %dma_start3A_431 = tpu.memref_squeeze %dma_start3A_430 : memref<1x1x!tpu.dma_semaphore, #tpu.memory_space<semaphore_mem>> -> memref<!tpu.dma_semaphore, #tpu.memory_space<semaphore_mem>>
    %dma_start3A_432 = arith.constant 0 : i32
    %dma_start3A_433 = tpu.memref_slice %arg3[%dma_start3A_420, %add3A_418, %dma_start3A_432] : memref<4x3072x1024xf32, #tpu.memory_space<hbm>> -> memref<1x32x1024xf32, #tpu.memory_space<hbm>>
    %dma_start3A_434 = tpu.memref_squeeze %dma_start3A_433 : memref<1x32x1024xf32, #tpu.memory_space<hbm>> -> memref<32x1024xf32, #tpu.memory_space<hbm>>
    %dma_start3A_435 = arith.constant 0 : i32
    %dma_start3A_436 = arith.constant 0 : i32
    %dma_start3A_437 = tpu.memref_slice %arg4[%dma_start3A_419, %dma_start3A_435, %dma_start3A_436] : memref<2x32x1024xf32, #tpu.memory_space<vmem>> -> memref<1x32x1024xf32, #tpu.memory_space<vmem>>
    %dma_start3A_438 = tpu.memref_squeeze %dma_start3A_437 : memref<1x32x1024xf32, #tpu.memory_space<vmem>> -> memref<32x1024xf32, #tpu.memory_space<vmem>>
    tpu.enqueue_dma source(%dma_start3A_438 : memref<32x1024xf32, #tpu.memory_space<vmem>>) target(%dma_start3A_434 : memref<32x1024xf32, #tpu.memory_space<hbm>>) target_semaphore(%dma_start3A_431 : memref<!tpu.dma_semaphore, #tpu.memory_space<semaphore_mem>>)
    %add3A_439 = arith.constant 64 : i32
    %add3A_440 = arith.addi %mul3A_2, %add3A_439 : i32
    %dma_start3A_441 = arith.constant 0 : i32
    %dma_start3A_442 = arith.constant 3 : i32
    %dma_start3A_443 = arith.constant 0 : i32
    %dma_start3A_444 = arith.constant 3 : i32
    %dma_start3A_445 = arith.constant 0 : i32
    %dma_start3A_446 = arith.constant 0 : i32
    %dma_start3A_447 = tpu.memref_slice %arg4[%dma_start3A_441, %dma_start3A_445, %dma_start3A_446] : memref<2x32x1024xf32, #tpu.memory_space<vmem>> -> memref<1x32x1024xf32, #tpu.memory_space<vmem>>
    %dma_start3A_448 = tpu.memref_squeeze %dma_start3A_447 : memref<1x32x1024xf32, #tpu.memory_space<vmem>> -> memref<32x1024xf32, #tpu.memory_space<vmem>>
    %dma_start3A_449 = arith.constant 0 : i32
    %dma_start3A_450 = tpu.memref_slice %arg3[%dma_start3A_442, %add3A_440, %dma_start3A_449] : memref<4x3072x1024xf32, #tpu.memory_space<hbm>> -> memref<1x32x1024xf32, #tpu.memory_space<hbm>>
    %dma_start3A_451 = tpu.memref_squeeze %dma_start3A_450 : memref<1x32x1024xf32, #tpu.memory_space<hbm>> -> memref<32x1024xf32, #tpu.memory_space<hbm>>
    %dma_start3A_452 = tpu.memref_slice %arg6[%dma_start3A_443, %dma_start3A_444] : memref<2x4x!tpu.dma_semaphore, #tpu.memory_space<semaphore_mem>> -> memref<1x1x!tpu.dma_semaphore, #tpu.memory_space<semaphore_mem>>
    %dma_start3A_453 = tpu.memref_squeeze %dma_start3A_452 : memref<1x1x!tpu.dma_semaphore, #tpu.memory_space<semaphore_mem>> -> memref<!tpu.dma_semaphore, #tpu.memory_space<semaphore_mem>>
    %dma_start3A_454 = arith.constant 0 : i32
    %dma_start3A_455 = tpu.memref_slice %arg3[%dma_start3A_442, %add3A_440, %dma_start3A_454] : memref<4x3072x1024xf32, #tpu.memory_space<hbm>> -> memref<1x32x1024xf32, #tpu.memory_space<hbm>>
    %dma_start3A_456 = tpu.memref_squeeze %dma_start3A_455 : memref<1x32x1024xf32, #tpu.memory_space<hbm>> -> memref<32x1024xf32, #tpu.memory_space<hbm>>
    %dma_start3A_457 = arith.constant 0 : i32
    %dma_start3A_458 = arith.constant 0 : i32
    %dma_start3A_459 = tpu.memref_slice %arg4[%dma_start3A_441, %dma_start3A_457, %dma_start3A_458] : memref<2x32x1024xf32, #tpu.memory_space<vmem>> -> memref<1x32x1024xf32, #tpu.memory_space<vmem>>
    %dma_start3A_460 = tpu.memref_squeeze %dma_start3A_459 : memref<1x32x1024xf32, #tpu.memory_space<vmem>> -> memref<32x1024xf32, #tpu.memory_space<vmem>>
    tpu.enqueue_dma source(%dma_start3A_460 : memref<32x1024xf32, #tpu.memory_space<vmem>>) target(%dma_start3A_456 : memref<32x1024xf32, #tpu.memory_space<hbm>>) target_semaphore(%dma_start3A_453 : memref<!tpu.dma_semaphore, #tpu.memory_space<semaphore_mem>>)
    %add3A_461 = arith.constant 32 : i32
    %add3A_462 = arith.addi %mul3A_2, %add3A_461 : i32
    %dma_wait3A_463 = arith.constant 1 : i32
    %dma_wait3A_464 = arith.constant 0 : i32
    %dma_wait3A_465 = arith.constant 1 : i32
    %dma_wait3A_466 = arith.constant 0 : i32
    %dma_wait3A_467 = arith.constant 0 : i32
    %dma_wait3A_468 = arith.constant 0 : i32
    %dma_wait3A_469 = tpu.memref_slice %arg4[%dma_wait3A_463, %dma_wait3A_467, %dma_wait3A_468] : memref<2x32x1024xf32, #tpu.memory_space<vmem>> -> memref<1x32x1024xf32, #tpu.memory_space<vmem>>
    %dma_wait3A_470 = tpu.memref_squeeze %dma_wait3A_469 : memref<1x32x1024xf32, #tpu.memory_space<vmem>> -> memref<32x1024xf32, #tpu.memory_space<vmem>>
    %dma_wait3A_471 = arith.constant 0 : i32
    %dma_wait3A_472 = tpu.memref_slice %arg3[%dma_wait3A_464, %add3A_462, %dma_wait3A_471] : memref<4x3072x1024xf32, #tpu.memory_space<hbm>> -> memref<1x32x1024xf32, #tpu.memory_space<hbm>>
    %dma_wait3A_473 = tpu.memref_squeeze %dma_wait3A_472 : memref<1x32x1024xf32, #tpu.memory_space<hbm>> -> memref<32x1024xf32, #tpu.memory_space<hbm>>
    %dma_wait3A_474 = tpu.memref_slice %arg6[%dma_wait3A_465, %dma_wait3A_466] : memref<2x4x!tpu.dma_semaphore, #tpu.memory_space<semaphore_mem>> -> memref<1x1x!tpu.dma_semaphore, #tpu.memory_space<semaphore_mem>>
    %dma_wait3A_475 = tpu.memref_squeeze %dma_wait3A_474 : memref<1x1x!tpu.dma_semaphore, #tpu.memory_space<semaphore_mem>> -> memref<!tpu.dma_semaphore, #tpu.memory_space<semaphore_mem>>
    %dma_wait3A_476 = arith.constant 0 : i32
    %dma_wait3A_477 = tpu.memref_slice %arg3[%dma_wait3A_464, %add3A_462, %dma_wait3A_476] : memref<4x3072x1024xf32, #tpu.memory_space<hbm>> -> memref<1x32x1024xf32, #tpu.memory_space<hbm>>
    %dma_wait3A_478 = tpu.memref_squeeze %dma_wait3A_477 : memref<1x32x1024xf32, #tpu.memory_space<hbm>> -> memref<32x1024xf32, #tpu.memory_space<hbm>>
    %dma_wait3A_479 = arith.constant 0 : i32
    %dma_wait3A_480 = arith.constant 0 : i32
    %dma_wait3A_481 = tpu.memref_slice %arg4[%dma_wait3A_463, %dma_wait3A_479, %dma_wait3A_480] : memref<2x32x1024xf32, #tpu.memory_space<vmem>> -> memref<1x32x1024xf32, #tpu.memory_space<vmem>>
    %dma_wait3A_482 = tpu.memref_squeeze %dma_wait3A_481 : memref<1x32x1024xf32, #tpu.memory_space<vmem>> -> memref<32x1024xf32, #tpu.memory_space<vmem>>
    tpu.wait_dma2 semaphore(%dma_wait3A_475 : memref<!tpu.dma_semaphore, #tpu.memory_space<semaphore_mem>>) src(%dma_wait3A_482 : memref<32x1024xf32, #tpu.memory_space<vmem>>) dst(%dma_wait3A_478 : memref<32x1024xf32, #tpu.memory_space<hbm>>)
    %add3A_483 = arith.constant 32 : i32
    %add3A_484 = arith.addi %mul3A_2, %add3A_483 : i32
    %dma_wait3A_485 = arith.constant 1 : i32
    %dma_wait3A_486 = arith.constant 1 : i32
    %dma_wait3A_487 = arith.constant 1 : i32
    %dma_wait3A_488 = arith.constant 1 : i32
    %dma_wait3A_489 = arith.constant 0 : i32
    %dma_wait3A_490 = arith.constant 0 : i32
    %dma_wait3A_491 = tpu.memref_slice %arg4[%dma_wait3A_485, %dma_wait3A_489, %dma_wait3A_490] : memref<2x32x1024xf32, #tpu.memory_space<vmem>> -> memref<1x32x1024xf32, #tpu.memory_space<vmem>>
    %dma_wait3A_492 = tpu.memref_squeeze %dma_wait3A_491 : memref<1x32x1024xf32, #tpu.memory_space<vmem>> -> memref<32x1024xf32, #tpu.memory_space<vmem>>
    %dma_wait3A_493 = arith.constant 0 : i32
    %dma_wait3A_494 = tpu.memref_slice %arg3[%dma_wait3A_486, %add3A_484, %dma_wait3A_493] : memref<4x3072x1024xf32, #tpu.memory_space<hbm>> -> memref<1x32x1024xf32, #tpu.memory_space<hbm>>
    %dma_wait3A_495 = tpu.memref_squeeze %dma_wait3A_494 : memref<1x32x1024xf32, #tpu.memory_space<hbm>> -> memref<32x1024xf32, #tpu.memory_space<hbm>>
    %dma_wait3A_496 = tpu.memref_slice %arg6[%dma_wait3A_487, %dma_wait3A_488] : memref<2x4x!tpu.dma_semaphore, #tpu.memory_space<semaphore_mem>> -> memref<1x1x!tpu.dma_semaphore, #tpu.memory_space<semaphore_mem>>
    %dma_wait3A_497 = tpu.memref_squeeze %dma_wait3A_496 : memref<1x1x!tpu.dma_semaphore, #tpu.memory_space<semaphore_mem>> -> memref<!tpu.dma_semaphore, #tpu.memory_space<semaphore_mem>>
    %dma_wait3A_498 = arith.constant 0 : i32
    %dma_wait3A_499 = tpu.memref_slice %arg3[%dma_wait3A_486, %add3A_484, %dma_wait3A_498] : memref<4x3072x1024xf32, #tpu.memory_space<hbm>> -> memref<1x32x1024xf32, #tpu.memory_space<hbm>>
    %dma_wait3A_500 = tpu.memref_squeeze %dma_wait3A_499 : memref<1x32x1024xf32, #tpu.memory_space<hbm>> -> memref<32x1024xf32, #tpu.memory_space<hbm>>
    %dma_wait3A_501 = arith.constant 0 : i32
    %dma_wait3A_502 = arith.constant 0 : i32
    %dma_wait3A_503 = tpu.memref_slice %arg4[%dma_wait3A_485, %dma_wait3A_501, %dma_wait3A_502] : memref<2x32x1024xf32, #tpu.memory_space<vmem>> -> memref<1x32x1024xf32, #tpu.memory_space<vmem>>
    %dma_wait3A_504 = tpu.memref_squeeze %dma_wait3A_503 : memref<1x32x1024xf32, #tpu.memory_space<vmem>> -> memref<32x1024xf32, #tpu.memory_space<vmem>>
    tpu.wait_dma2 semaphore(%dma_wait3A_497 : memref<!tpu.dma_semaphore, #tpu.memory_space<semaphore_mem>>) src(%dma_wait3A_504 : memref<32x1024xf32, #tpu.memory_space<vmem>>) dst(%dma_wait3A_500 : memref<32x1024xf32, #tpu.memory_space<hbm>>)
    %add3A_505 = arith.constant 32 : i32
    %add3A_506 = arith.addi %mul3A_2, %add3A_505 : i32
    %dma_wait3A_507 = arith.constant 1 : i32
    %dma_wait3A_508 = arith.constant 2 : i32
    %dma_wait3A_509 = arith.constant 1 : i32
    %dma_wait3A_510 = arith.constant 2 : i32
    %dma_wait3A_511 = arith.constant 0 : i32
    %dma_wait3A_512 = arith.constant 0 : i32
    %dma_wait3A_513 = tpu.memref_slice %arg4[%dma_wait3A_507, %dma_wait3A_511, %dma_wait3A_512] : memref<2x32x1024xf32, #tpu.memory_space<vmem>> -> memref<1x32x1024xf32, #tpu.memory_space<vmem>>
    %dma_wait3A_514 = tpu.memref_squeeze %dma_wait3A_513 : memref<1x32x1024xf32, #tpu.memory_space<vmem>> -> memref<32x1024xf32, #tpu.memory_space<vmem>>
    %dma_wait3A_515 = arith.constant 0 : i32
    %dma_wait3A_516 = tpu.memref_slice %arg3[%dma_wait3A_508, %add3A_506, %dma_wait3A_515] : memref<4x3072x1024xf32, #tpu.memory_space<hbm>> -> memref<1x32x1024xf32, #tpu.memory_space<hbm>>
    %dma_wait3A_517 = tpu.memref_squeeze %dma_wait3A_516 : memref<1x32x1024xf32, #tpu.memory_space<hbm>> -> memref<32x1024xf32, #tpu.memory_space<hbm>>
    %dma_wait3A_518 = tpu.memref_slice %arg6[%dma_wait3A_509, %dma_wait3A_510] : memref<2x4x!tpu.dma_semaphore, #tpu.memory_space<semaphore_mem>> -> memref<1x1x!tpu.dma_semaphore, #tpu.memory_space<semaphore_mem>>
    %dma_wait3A_519 = tpu.memref_squeeze %dma_wait3A_518 : memref<1x1x!tpu.dma_semaphore, #tpu.memory_space<semaphore_mem>> -> memref<!tpu.dma_semaphore, #tpu.memory_space<semaphore_mem>>
    %dma_wait3A_520 = arith.constant 0 : i32
    %dma_wait3A_521 = tpu.memref_slice %arg3[%dma_wait3A_508, %add3A_506, %dma_wait3A_520] : memref<4x3072x1024xf32, #tpu.memory_space<hbm>> -> memref<1x32x1024xf32, #tpu.memory_space<hbm>>
    %dma_wait3A_522 = tpu.memref_squeeze %dma_wait3A_521 : memref<1x32x1024xf32, #tpu.memory_space<hbm>> -> memref<32x1024xf32, #tpu.memory_space<hbm>>
    %dma_wait3A_523 = arith.constant 0 : i32
    %dma_wait3A_524 = arith.constant 0 : i32
    %dma_wait3A_525 = tpu.memref_slice %arg4[%dma_wait3A_507, %dma_wait3A_523, %dma_wait3A_524] : memref<2x32x1024xf32, #tpu.memory_space<vmem>> -> memref<1x32x1024xf32, #tpu.memory_space<vmem>>
    %dma_wait3A_526 = tpu.memref_squeeze %dma_wait3A_525 : memref<1x32x1024xf32, #tpu.memory_space<vmem>> -> memref<32x1024xf32, #tpu.memory_space<vmem>>
    tpu.wait_dma2 semaphore(%dma_wait3A_519 : memref<!tpu.dma_semaphore, #tpu.memory_space<semaphore_mem>>) src(%dma_wait3A_526 : memref<32x1024xf32, #tpu.memory_space<vmem>>) dst(%dma_wait3A_522 : memref<32x1024xf32, #tpu.memory_space<hbm>>)
    %add3A_527 = arith.constant 32 : i32
    %add3A_528 = arith.addi %mul3A_2, %add3A_527 : i32
    %dma_wait3A_529 = arith.constant 1 : i32
    %dma_wait3A_530 = arith.constant 3 : i32
    %dma_wait3A_531 = arith.constant 1 : i32
    %dma_wait3A_532 = arith.constant 3 : i32
    %dma_wait3A_533 = arith.constant 0 : i32
    %dma_wait3A_534 = arith.constant 0 : i32
    %dma_wait3A_535 = tpu.memref_slice %arg4[%dma_wait3A_529, %dma_wait3A_533, %dma_wait3A_534] : memref<2x32x1024xf32, #tpu.memory_space<vmem>> -> memref<1x32x1024xf32, #tpu.memory_space<vmem>>
    %dma_wait3A_536 = tpu.memref_squeeze %dma_wait3A_535 : memref<1x32x1024xf32, #tpu.memory_space<vmem>> -> memref<32x1024xf32, #tpu.memory_space<vmem>>
    %dma_wait3A_537 = arith.constant 0 : i32
    %dma_wait3A_538 = tpu.memref_slice %arg3[%dma_wait3A_530, %add3A_528, %dma_wait3A_537] : memref<4x3072x1024xf32, #tpu.memory_space<hbm>> -> memref<1x32x1024xf32, #tpu.memory_space<hbm>>
    %dma_wait3A_539 = tpu.memref_squeeze %dma_wait3A_538 : memref<1x32x1024xf32, #tpu.memory_space<hbm>> -> memref<32x1024xf32, #tpu.memory_space<hbm>>
    %dma_wait3A_540 = tpu.memref_slice %arg6[%dma_wait3A_531, %dma_wait3A_532] : memref<2x4x!tpu.dma_semaphore, #tpu.memory_space<semaphore_mem>> -> memref<1x1x!tpu.dma_semaphore, #tpu.memory_space<semaphore_mem>>
    %dma_wait3A_541 = tpu.memref_squeeze %dma_wait3A_540 : memref<1x1x!tpu.dma_semaphore, #tpu.memory_space<semaphore_mem>> -> memref<!tpu.dma_semaphore, #tpu.memory_space<semaphore_mem>>
    %dma_wait3A_542 = arith.constant 0 : i32
    %dma_wait3A_543 = tpu.memref_slice %arg3[%dma_wait3A_530, %add3A_528, %dma_wait3A_542] : memref<4x3072x1024xf32, #tpu.memory_space<hbm>> -> memref<1x32x1024xf32, #tpu.memory_space<hbm>>
    %dma_wait3A_544 = tpu.memref_squeeze %dma_wait3A_543 : memref<1x32x1024xf32, #tpu.memory_space<hbm>> -> memref<32x1024xf32, #tpu.memory_space<hbm>>
    %dma_wait3A_545 = arith.constant 0 : i32
    %dma_wait3A_546 = arith.constant 0 : i32
    %dma_wait3A_547 = tpu.memref_slice %arg4[%dma_wait3A_529, %dma_wait3A_545, %dma_wait3A_546] : memref<2x32x1024xf32, #tpu.memory_space<vmem>> -> memref<1x32x1024xf32, #tpu.memory_space<vmem>>
    %dma_wait3A_548 = tpu.memref_squeeze %dma_wait3A_547 : memref<1x32x1024xf32, #tpu.memory_space<vmem>> -> memref<32x1024xf32, #tpu.memory_space<vmem>>
    tpu.wait_dma2 semaphore(%dma_wait3A_541 : memref<!tpu.dma_semaphore, #tpu.memory_space<semaphore_mem>>) src(%dma_wait3A_548 : memref<32x1024xf32, #tpu.memory_space<vmem>>) dst(%dma_wait3A_544 : memref<32x1024xf32, #tpu.memory_space<hbm>>)
    %add3A_549 = arith.constant 64 : i32
    %add3A_550 = arith.addi %mul3A_2, %add3A_549 : i32
    %dma_wait3A_551 = arith.constant 0 : i32
    %dma_wait3A_552 = arith.constant 0 : i32
    %dma_wait3A_553 = arith.constant 0 : i32
    %dma_wait3A_554 = arith.constant 0 : i32
    %dma_wait3A_555 = arith.constant 0 : i32
    %dma_wait3A_556 = arith.constant 0 : i32
    %dma_wait3A_557 = tpu.memref_slice %arg4[%dma_wait3A_551, %dma_wait3A_555, %dma_wait3A_556] : memref<2x32x1024xf32, #tpu.memory_space<vmem>> -> memref<1x32x1024xf32, #tpu.memory_space<vmem>>
    %dma_wait3A_558 = tpu.memref_squeeze %dma_wait3A_557 : memref<1x32x1024xf32, #tpu.memory_space<vmem>> -> memref<32x1024xf32, #tpu.memory_space<vmem>>
    %dma_wait3A_559 = arith.constant 0 : i32
    %dma_wait3A_560 = tpu.memref_slice %arg3[%dma_wait3A_552, %add3A_550, %dma_wait3A_559] : memref<4x3072x1024xf32, #tpu.memory_space<hbm>> -> memref<1x32x1024xf32, #tpu.memory_space<hbm>>
    %dma_wait3A_561 = tpu.memref_squeeze %dma_wait3A_560 : memref<1x32x1024xf32, #tpu.memory_space<hbm>> -> memref<32x1024xf32, #tpu.memory_space<hbm>>
    %dma_wait3A_562 = tpu.memref_slice %arg6[%dma_wait3A_553, %dma_wait3A_554] : memref<2x4x!tpu.dma_semaphore, #tpu.memory_space<semaphore_mem>> -> memref<1x1x!tpu.dma_semaphore, #tpu.memory_space<semaphore_mem>>
    %dma_wait3A_563 = tpu.memref_squeeze %dma_wait3A_562 : memref<1x1x!tpu.dma_semaphore, #tpu.memory_space<semaphore_mem>> -> memref<!tpu.dma_semaphore, #tpu.memory_space<semaphore_mem>>
    %dma_wait3A_564 = arith.constant 0 : i32
    %dma_wait3A_565 = tpu.memref_slice %arg3[%dma_wait3A_552, %add3A_550, %dma_wait3A_564] : memref<4x3072x1024xf32, #tpu.memory_space<hbm>> -> memref<1x32x1024xf32, #tpu.memory_space<hbm>>
    %dma_wait3A_566 = tpu.memref_squeeze %dma_wait3A_565 : memref<1x32x1024xf32, #tpu.memory_space<hbm>> -> memref<32x1024xf32, #tpu.memory_space<hbm>>
    %dma_wait3A_567 = arith.constant 0 : i32
    %dma_wait3A_568 = arith.constant 0 : i32
    %dma_wait3A_569 = tpu.memref_slice %arg4[%dma_wait3A_551, %dma_wait3A_567, %dma_wait3A_568] : memref<2x32x1024xf32, #tpu.memory_space<vmem>> -> memref<1x32x1024xf32, #tpu.memory_space<vmem>>
    %dma_wait3A_570 = tpu.memref_squeeze %dma_wait3A_569 : memref<1x32x1024xf32, #tpu.memory_space<vmem>> -> memref<32x1024xf32, #tpu.memory_space<vmem>>
    tpu.wait_dma2 semaphore(%dma_wait3A_563 : memref<!tpu.dma_semaphore, #tpu.memory_space<semaphore_mem>>) src(%dma_wait3A_570 : memref<32x1024xf32, #tpu.memory_space<vmem>>) dst(%dma_wait3A_566 : memref<32x1024xf32, #tpu.memory_space<hbm>>)
    %add3A_571 = arith.constant 64 : i32
    %add3A_572 = arith.addi %mul3A_2, %add3A_571 : i32
    %dma_wait3A_573 = arith.constant 0 : i32
    %dma_wait3A_574 = arith.constant 1 : i32
    %dma_wait3A_575 = arith.constant 0 : i32
    %dma_wait3A_576 = arith.constant 1 : i32
    %dma_wait3A_577 = arith.constant 0 : i32
    %dma_wait3A_578 = arith.constant 0 : i32
    %dma_wait3A_579 = tpu.memref_slice %arg4[%dma_wait3A_573, %dma_wait3A_577, %dma_wait3A_578] : memref<2x32x1024xf32, #tpu.memory_space<vmem>> -> memref<1x32x1024xf32, #tpu.memory_space<vmem>>
    %dma_wait3A_580 = tpu.memref_squeeze %dma_wait3A_579 : memref<1x32x1024xf32, #tpu.memory_space<vmem>> -> memref<32x1024xf32, #tpu.memory_space<vmem>>
    %dma_wait3A_581 = arith.constant 0 : i32
    %dma_wait3A_582 = tpu.memref_slice %arg3[%dma_wait3A_574, %add3A_572, %dma_wait3A_581] : memref<4x3072x1024xf32, #tpu.memory_space<hbm>> -> memref<1x32x1024xf32, #tpu.memory_space<hbm>>
    %dma_wait3A_583 = tpu.memref_squeeze %dma_wait3A_582 : memref<1x32x1024xf32, #tpu.memory_space<hbm>> -> memref<32x1024xf32, #tpu.memory_space<hbm>>
    %dma_wait3A_584 = tpu.memref_slice %arg6[%dma_wait3A_575, %dma_wait3A_576] : memref<2x4x!tpu.dma_semaphore, #tpu.memory_space<semaphore_mem>> -> memref<1x1x!tpu.dma_semaphore, #tpu.memory_space<semaphore_mem>>
    %dma_wait3A_585 = tpu.memref_squeeze %dma_wait3A_584 : memref<1x1x!tpu.dma_semaphore, #tpu.memory_space<semaphore_mem>> -> memref<!tpu.dma_semaphore, #tpu.memory_space<semaphore_mem>>
    %dma_wait3A_586 = arith.constant 0 : i32
    %dma_wait3A_587 = tpu.memref_slice %arg3[%dma_wait3A_574, %add3A_572, %dma_wait3A_586] : memref<4x3072x1024xf32, #tpu.memory_space<hbm>> -> memref<1x32x1024xf32, #tpu.memory_space<hbm>>
    %dma_wait3A_588 = tpu.memref_squeeze %dma_wait3A_587 : memref<1x32x1024xf32, #tpu.memory_space<hbm>> -> memref<32x1024xf32, #tpu.memory_space<hbm>>
    %dma_wait3A_589 = arith.constant 0 : i32
    %dma_wait3A_590 = arith.constant 0 : i32
    %dma_wait3A_591 = tpu.memref_slice %arg4[%dma_wait3A_573, %dma_wait3A_589, %dma_wait3A_590] : memref<2x32x1024xf32, #tpu.memory_space<vmem>> -> memref<1x32x1024xf32, #tpu.memory_space<vmem>>
    %dma_wait3A_592 = tpu.memref_squeeze %dma_wait3A_591 : memref<1x32x1024xf32, #tpu.memory_space<vmem>> -> memref<32x1024xf32, #tpu.memory_space<vmem>>
    tpu.wait_dma2 semaphore(%dma_wait3A_585 : memref<!tpu.dma_semaphore, #tpu.memory_space<semaphore_mem>>) src(%dma_wait3A_592 : memref<32x1024xf32, #tpu.memory_space<vmem>>) dst(%dma_wait3A_588 : memref<32x1024xf32, #tpu.memory_space<hbm>>)
    %add3A_593 = arith.constant 64 : i32
    %add3A_594 = arith.addi %mul3A_2, %add3A_593 : i32
    %dma_wait3A_595 = arith.constant 0 : i32
    %dma_wait3A_596 = arith.constant 2 : i32
    %dma_wait3A_597 = arith.constant 0 : i32
    %dma_wait3A_598 = arith.constant 2 : i32
    %dma_wait3A_599 = arith.constant 0 : i32
    %dma_wait3A_600 = arith.constant 0 : i32
    %dma_wait3A_601 = tpu.memref_slice %arg4[%dma_wait3A_595, %dma_wait3A_599, %dma_wait3A_600] : memref<2x32x1024xf32, #tpu.memory_space<vmem>> -> memref<1x32x1024xf32, #tpu.memory_space<vmem>>
    %dma_wait3A_602 = tpu.memref_squeeze %dma_wait3A_601 : memref<1x32x1024xf32, #tpu.memory_space<vmem>> -> memref<32x1024xf32, #tpu.memory_space<vmem>>
    %dma_wait3A_603 = arith.constant 0 : i32
    %dma_wait3A_604 = tpu.memref_slice %arg3[%dma_wait3A_596, %add3A_594, %dma_wait3A_603] : memref<4x3072x1024xf32, #tpu.memory_space<hbm>> -> memref<1x32x1024xf32, #tpu.memory_space<hbm>>
    %dma_wait3A_605 = tpu.memref_squeeze %dma_wait3A_604 : memref<1x32x1024xf32, #tpu.memory_space<hbm>> -> memref<32x1024xf32, #tpu.memory_space<hbm>>
    %dma_wait3A_606 = tpu.memref_slice %arg6[%dma_wait3A_597, %dma_wait3A_598] : memref<2x4x!tpu.dma_semaphore, #tpu.memory_space<semaphore_mem>> -> memref<1x1x!tpu.dma_semaphore, #tpu.memory_space<semaphore_mem>>
    %dma_wait3A_607 = tpu.memref_squeeze %dma_wait3A_606 : memref<1x1x!tpu.dma_semaphore, #tpu.memory_space<semaphore_mem>> -> memref<!tpu.dma_semaphore, #tpu.memory_space<semaphore_mem>>
    %dma_wait3A_608 = arith.constant 0 : i32
    %dma_wait3A_609 = tpu.memref_slice %arg3[%dma_wait3A_596, %add3A_594, %dma_wait3A_608] : memref<4x3072x1024xf32, #tpu.memory_space<hbm>> -> memref<1x32x1024xf32, #tpu.memory_space<hbm>>
    %dma_wait3A_610 = tpu.memref_squeeze %dma_wait3A_609 : memref<1x32x1024xf32, #tpu.memory_space<hbm>> -> memref<32x1024xf32, #tpu.memory_space<hbm>>
    %dma_wait3A_611 = arith.constant 0 : i32
    %dma_wait3A_612 = arith.constant 0 : i32
    %dma_wait3A_613 = tpu.memref_slice %arg4[%dma_wait3A_595, %dma_wait3A_611, %dma_wait3A_612] : memref<2x32x1024xf32, #tpu.memory_space<vmem>> -> memref<1x32x1024xf32, #tpu.memory_space<vmem>>
    %dma_wait3A_614 = tpu.memref_squeeze %dma_wait3A_613 : memref<1x32x1024xf32, #tpu.memory_space<vmem>> -> memref<32x1024xf32, #tpu.memory_space<vmem>>
    tpu.wait_dma2 semaphore(%dma_wait3A_607 : memref<!tpu.dma_semaphore, #tpu.memory_space<semaphore_mem>>) src(%dma_wait3A_614 : memref<32x1024xf32, #tpu.memory_space<vmem>>) dst(%dma_wait3A_610 : memref<32x1024xf32, #tpu.memory_space<hbm>>)
    %add3A_615 = arith.constant 64 : i32
    %add3A_616 = arith.addi %mul3A_2, %add3A_615 : i32
    %dma_wait3A_617 = arith.constant 0 : i32
    %dma_wait3A_618 = arith.constant 3 : i32
    %dma_wait3A_619 = arith.constant 0 : i32
    %dma_wait3A_620 = arith.constant 3 : i32
    %dma_wait3A_621 = arith.constant 0 : i32
    %dma_wait3A_622 = arith.constant 0 : i32
    %dma_wait3A_623 = tpu.memref_slice %arg4[%dma_wait3A_617, %dma_wait3A_621, %dma_wait3A_622] : memref<2x32x1024xf32, #tpu.memory_space<vmem>> -> memref<1x32x1024xf32, #tpu.memory_space<vmem>>
    %dma_wait3A_624 = tpu.memref_squeeze %dma_wait3A_623 : memref<1x32x1024xf32, #tpu.memory_space<vmem>> -> memref<32x1024xf32, #tpu.memory_space<vmem>>
    %dma_wait3A_625 = arith.constant 0 : i32
    %dma_wait3A_626 = tpu.memref_slice %arg3[%dma_wait3A_618, %add3A_616, %dma_wait3A_625] : memref<4x3072x1024xf32, #tpu.memory_space<hbm>> -> memref<1x32x1024xf32, #tpu.memory_space<hbm>>
    %dma_wait3A_627 = tpu.memref_squeeze %dma_wait3A_626 : memref<1x32x1024xf32, #tpu.memory_space<hbm>> -> memref<32x1024xf32, #tpu.memory_space<hbm>>
    %dma_wait3A_628 = tpu.memref_slice %arg6[%dma_wait3A_619, %dma_wait3A_620] : memref<2x4x!tpu.dma_semaphore, #tpu.memory_space<semaphore_mem>> -> memref<1x1x!tpu.dma_semaphore, #tpu.memory_space<semaphore_mem>>
    %dma_wait3A_629 = tpu.memref_squeeze %dma_wait3A_628 : memref<1x1x!tpu.dma_semaphore, #tpu.memory_space<semaphore_mem>> -> memref<!tpu.dma_semaphore, #tpu.memory_space<semaphore_mem>>
    %dma_wait3A_630 = arith.constant 0 : i32
    %dma_wait3A_631 = tpu.memref_slice %arg3[%dma_wait3A_618, %add3A_616, %dma_wait3A_630] : memref<4x3072x1024xf32, #tpu.memory_space<hbm>> -> memref<1x32x1024xf32, #tpu.memory_space<hbm>>
    %dma_wait3A_632 = tpu.memref_squeeze %dma_wait3A_631 : memref<1x32x1024xf32, #tpu.memory_space<hbm>> -> memref<32x1024xf32, #tpu.memory_space<hbm>>
    %dma_wait3A_633 = arith.constant 0 : i32
    %dma_wait3A_634 = arith.constant 0 : i32
    %dma_wait3A_635 = tpu.memref_slice %arg4[%dma_wait3A_617, %dma_wait3A_633, %dma_wait3A_634] : memref<2x32x1024xf32, #tpu.memory_space<vmem>> -> memref<1x32x1024xf32, #tpu.memory_space<vmem>>
    %dma_wait3A_636 = tpu.memref_squeeze %dma_wait3A_635 : memref<1x32x1024xf32, #tpu.memory_space<vmem>> -> memref<32x1024xf32, #tpu.memory_space<vmem>>
    tpu.wait_dma2 semaphore(%dma_wait3A_629 : memref<!tpu.dma_semaphore, #tpu.memory_space<semaphore_mem>>) src(%dma_wait3A_636 : memref<32x1024xf32, #tpu.memory_space<vmem>>) dst(%dma_wait3A_632 : memref<32x1024xf32, #tpu.memory_space<hbm>>)
    return
  }
}

module attributes {stable_mosaic.version = 14 : i64} {
  func.func @_tc_bcast(%arg0: i32, %arg1: memref<512x1024xf32, #tpu.memory_space<vmem>>, %arg2: memref<4x512x1024xf32, #tpu.memory_space<vmem>>) attributes {dimension_semantics = [#tpu.dimension_semantics<arbitrary>], iteration_bounds = array<i64: 10>, scalar_prefetch = 0 : i64, scratch_operands = 0 : i64, tpu.core_type = #tpu.core_type<tc>, window_params = [{transform_indices = @transform_0, window_bounds = array<i64: 512, 1024>}, {transform_indices = @transform_1, window_bounds = array<i64: 4, 512, 1024>}]} {
    %get3A = arith.constant 0 : index
    %get3A_0 = arith.constant 0 : index
    %get3A_1 = vector.load %arg1[%get3A, %get3A_0] : memref<512x1024xf32, #tpu.memory_space<vmem>>, vector<512x1024xf32>
    %broadcast_in_dim3A = vector.shape_cast %get3A_1 : vector<512x1024xf32> to vector<1x512x1024xf32>
    %broadcast_in_dim3A_2 = vector.shape_cast %broadcast_in_dim3A : vector<1x512x1024xf32> to vector<1x512x1024xf32>
    %broadcast_in_dim3A_3 = vector.broadcast %broadcast_in_dim3A_2 : vector<1x512x1024xf32> to vector<4x512x1024xf32>
    %swap3A = arith.constant 0 : index
    %swap3A_4 = arith.constant 0 : index
    %swap3A_5 = arith.constant 0 : index
    %swap3A_6 = vector.load %arg2[%swap3A, %swap3A_4, %swap3A_5] : memref<4x512x1024xf32, #tpu.memory_space<vmem>>, vector<4x512x1024xf32>
    tpu.vector_store %arg2[%swap3A, %swap3A_4, %swap3A_5], %broadcast_in_dim3A_3 {strides = array<i32>} : memref<4x512x1024xf32, #tpu.memory_space<vmem>>, vector<4x512x1024xf32>,
    return
  }
  func.func @transform_0(%arg0: i32) -> (i32, i32) {
    %c0_i32 = arith.constant 0 : i32
    %c0_i32_0 = arith.constant 0 : i32
    return %arg0, %c0_i32 : i32, i32
  }
  func.func @transform_1(%arg0: i32) -> (i32, i32, i32) {
    %c0_i32 = arith.constant 0 : i32
    %c0_i32_0 = arith.constant 0 : i32
    %c0_i32_1 = arith.constant 0 : i32
    return %c0_i32, %arg0, %c0_i32_0 : i32, i32, i32
  }
}

</mosaic_0001>

<sc_bundles>
// kernel: kernel.4.cloned.1.call-start
scs
__scs_entry_jumppad:
0x0: {  	(pc) =	sbr.rel $0x88, $3  }
0x1: {  	(tag) =	ssettag $0x0;
	lr =	simm.s32 $0x1  }
0x2: {  	[smem:$0x3FA0] =	sst lr;
	_ =	strace $0xD0000000  }
0x3: {  	_ = 	snop  }
0x4: {  	_ = 	snop  }
0x5: {  	_ = 	snop  }
0x6: {  	_ = 	snop  }
0x7: {  	_ = 	snop  }
__scs_overlays_trampoline_lowered:
0x8: {  	[smem:$0x3FAF] =	sst s0  }
0x9: {  	[smem:$0x3FB0] =	sst s1  }
0xa: {  	[smem:$0x3FB1] =	sst s2  }
0xb: {  	[smem:$0x3FB2] =	sst s3  }
0xc: {  	[smem:$0x3FB3] =	sst s4  }
0xd: {  	[smem:$0x3FB4] =	sst s5  }
0xe: {  	[smem:$0x3FB5] =	sst s6  }
0xf: {  	[smem:$0x3FB6] =	sst s7  }
0x10: {  	[smem:$0x3FB7] =	sst s8  }
0x11: {  	[smem:$0x3FB8] =	sst s9;
	s0 =	simm.s32 @!p0 $0x0  }
0x12: {  	s1 =	sld [smem:$0x3F9E];
	s0 =	simm.s32 @p0 $0x1  }
0x13: {  	[smem:$0x3FB9] =	sst s0;
	s0 =	simm.s32 @!p1 $0x0  }
0x14: {  	s2 =	sld [smem:$0x3F9D];
	s0 =	simm.s32 @p1 $0x1  }
0x15: {  	[smem:$0x3FBA] =	sst s0;
	s0 =	simm.s32 @!p2 $0x0  }
0x16: {  	s3 =	sld [smem:$0x3FDB];
	s0 =	simm.s32 @p2 $0x1  }
0x17: {  	s4 =	simm.s32 $0x1BF5;
	[smem:$0x3FBC] =	sst s0  }
0x18: {  	s0 =	sld [smem:$0x3F9F];
	_ =	swait.ge [sflag:s4], $0x0  }
0x19: {  	s7 =	sld [smem:$0x3FA0]  }
0x1a: {  	s8 =	sadd.s32 $0xFFFFE003, lr  }
0x1b: {  	s9 =	sadd.s32 $0xFFFFFEF7, lr;
	s5 =	simm.s32 $0xFFFFFFFF;
	p2 =	slt.u32 s8, $0xFFFFF086  }
0x1c: {  	p1 =	slt.u32 s9, $0xF7A;
	s5 =	simm.s32 @!p2 $0x0  }
0x1d: {  	s5 =	simm.s32 @p1 $0x1;
	p0 =	seq.s32 s7, s2  }
0x1e: {  	s7 =	smul.u32 @!p0 $0xF7A, s2;
	p2 =	seq.s32 @!p0 s5, $0x0  }
0x1f: {  	s9 =	smul.u32 $0xF7A, s1;
	s8 =	simm.s32 @!p0 $0x1BF5;
	p2 =	por !p2, p0  }
0x20: {  	[sflag:s8] =	ssyncset.s32 @!p0 $0xFFFFF086;
	s6 =	sadd.s32 @!p0 s3, s7;
	s7 =	simm.s32 @!p0 $0x108  }
0x21: {  	s3 =	sadd.s32 s3, s9;
	s6 =	sadd.s32 @!p0 $0x88, s6;
	s7 =	simm.s32 @p2 $0x1082  }
0x22: {  	[simem:s7], [sflag:s8] =	dma.local @!p0 [hbm:s6], $0xF7A  }
0x23: {  	s9 =	sor.u32 $0xD0000000, s2;
	s6 =	simm.s32 $0x108;
	_ =	swait.ge @!p0 [sflag:s8], $0x0  }
0x24: {  	s3 =	sadd.s32 $0x88, s3;
	s6 =	simm.s32 @!p1 $0x1082;
	[sflag:s4] =	ssyncset.s32 $0xFFFFF086  }
0x25: {  	[simem:s6], [sflag:s4] =	dma.local [hbm:s3], $0xF7A  }
0x26: {  	[smem:$0x3FA0] =	sst s1;
	(tag) =	ssettag s2;
	_ =	strace s9  }
0x27: {  	s1 =	sld [smem:$0x3FB0]  }
0x28: {  	s2 =	sld [smem:$0x3FB1]  }
0x29: {  	s4 =	sld [smem:$0x3FB3]  }
0x2a: {  	p0 =	seq.s32 s5, $0x0;
	s5 =	sld [smem:$0x3FB4]  }
0x2b: {  	s6 =	sld [smem:$0x3FB5]  }
0x2c: {  	s7 =	sld [smem:$0x3FB6]  }
0x2d: {  	s3 =	simm.s32 $0x108;
	s8 =	sld [smem:$0x3FB7]  }
0x2e: {  	s3 =	simm.s32 @!p0 $0x1082;
	s9 =	sld [smem:$0x3FB8]  }
0x2f: {  	lr =	sadd.s32 s0, s3;
	s0 =	sld [smem:$0x3FAF]  }
0x30: {  	s3 =	sld [smem:$0x3FB2]  }
0x31: {  	[smem:$0x3FBB] =	sst s10  }
0x32: {  	s10 =	sld [smem:$0x3FB9];
	_ =	sdelay $0x3  }
0x33: {  	p0 =	seq.s32 s10, $0x1;
	s10 =	sld [smem:$0x3FBB];
	_ =	sdelay $0x3  }
0x34: {  	[smem:$0x3FBB] =	sst s10  }
0x35: {  	s10 =	sld [smem:$0x3FBA];
	_ =	sdelay $0x3  }
0x36: {  	p1 =	seq.s32 s10, $0x1;
	s10 =	sld [smem:$0x3FBB];
	_ =	sdelay $0x3  }
0x37: {  	[smem:$0x3FBB] =	sst s10  }
0x38: {  	s10 =	sld [smem:$0x3FBC]  }
0x39: {  	_ = 	snop;
	(pc) =	sbr.ind lr, $3  }
0x3a: {  	_ = 	snop  }
0x3b: {  	_ = 	snop  }
0x3c: {  	p2 =	seq.s32 s10, $0x1;
	s10 =	sld [smem:$0x3FBB]  }
0x3d: {  	_ =	shalt  }
0x3e: {  	_ =	shalt  }
0x3f: {  	_ =	shalt  }
0x40: {  	_ =	shalt  }
0x41: {  	_ =	shalt  }
0x42: {  	_ =	shalt  }
0x43: {  	_ =	shalt  }
0x44: {  	_ =	shalt  }
0x45: {  	_ =	shalt  }
0x46: {  	_ =	shalt  }
0x47: {  	_ =	shalt  }
0x48: {  	_ =	shalt  }
0x49: {  	_ =	shalt  }
0x4a: {  	_ =	shalt  }
0x4b: {  	_ =	shalt  }
0x4c: {  	_ =	shalt  }
0x4d: {  	_ =	shalt  }
0x4e: {  	_ =	shalt  }
0x4f: {  	_ =	shalt  }
0x50: {  	_ =	shalt  }
0x51: {  	_ =	shalt  }
0x52: {  	_ =	shalt  }
0x53: {  	_ =	shalt  }
0x54: {  	_ =	shalt  }
0x55: {  	_ =	shalt  }
0x56: {  	_ =	shalt  }
0x57: {  	_ =	shalt  }
0x58: {  	_ =	shalt  }
0x59: {  	_ =	shalt  }
0x5a: {  	_ =	shalt  }
0x5b: {  	_ =	shalt  }
0x5c: {  	_ =	shalt  }
0x5d: {  	_ =	shalt  }
0x5e: {  	_ =	shalt  }
0x5f: {  	_ =	shalt  }
0x60: {  	_ =	shalt  }
0x61: {  	_ =	shalt  }
0x62: {  	_ =	shalt  }
0x63: {  	_ =	shalt  }
0x64: {  	_ =	shalt  }
0x65: {  	_ =	shalt  }
0x66: {  	_ =	shalt  }
0x67: {  	_ =	shalt  }
0x68: {  	_ =	shalt  }
0x69: {  	_ =	shalt  }
0x6a: {  	_ =	shalt  }
0x6b: {  	_ =	shalt  }
0x6c: {  	_ =	shalt  }
0x6d: {  	_ =	shalt  }
0x6e: {  	_ =	shalt  }
0x6f: {  	_ =	shalt  }
0x70: {  	_ =	shalt  }
0x71: {  	_ =	shalt  }
0x72: {  	_ =	shalt  }
0x73: {  	_ =	shalt  }
0x74: {  	_ =	shalt  }
0x75: {  	_ =	shalt  }
0x76: {  	_ =	shalt  }
0x77: {  	_ =	shalt  }
0x78: {  	_ =	shalt  }
0x79: {  	_ =	shalt  }
0x7a: {  	_ =	shalt  }
0x7b: {  	_ =	shalt  }
0x7c: {  	_ =	shalt  }
0x7d: {  	_ =	shalt  }
0x7e: {  	_ =	shalt  }
0x7f: {  	_ =	shalt  }
0x80: {  	_ =	shalt  }
0x81: {  	_ =	shalt  }
0x82: {  	_ =	shalt  }
0x83: {  	_ =	shalt  }
0x84: {  	_ =	shalt  }
0x85: {  	_ =	shalt  }
0x86: {  	_ =	shalt  }
0x87: {  	_ =	shalt  }
.Lfunc_end0:
.L_simem_size_0:
called_computation_lowered:
.L_overlay_start_0:
0x88: {  	s2 =	sld [smem:$0x3FD9]  }
0x89: {  	s3 =	sld [smem:$0x3FFE];
	_ =	sdelay $0x1  }
0x8a: {  	s1 =	srdreg.scid  }
0x8b: {  	s0 =	sand.u32 $0x1, s1  }
0x8c: {  	s17 =	sshll.u32 s0, $0xA;
	s2 =	sadd.s32 s3, s2  }
0x8d: {  	s2 =	sadd.s32 s2, s17  }
0x8e: {  	[smem:$0x3FC7] =	sst s2  }
0x8f: {  	_ = 	snop  }
0x90: {  	s2 =	sld [smem:$0x3FC9];
	(tm) =	ssettm $0x1  }
0x91: {  	s18 =	sld [smem:$0x3FFB];
	_ =	sdelay $0x3  }
0x92: {  	_ =	strace s18  }
0x93: {  	s3 =	sld [smem:$0x3FFC];
	_ =	sdelay $0x3  }
0x94: {  	_ =	strace s3  }
0x95: {  	s3 =	sld [smem:$0x3FFD];
	_ =	sdelay $0x3  }
0x96: {  	_ =	strace s3  }
0x97: {  	_ =	strace $0x8FFFFFFF  }
0x98: {  	s19 =	sld [smem:$0x3FDB];
	_ =	sdelay $0x1  }
0x99: {  	s4 =	simm.s32 $_scs_section_size  }
0x9a: {  	s5 =	simm.s32 $_size__tile_overlayer_lowered;
	s6 =	simm.s32 $_tile_overlayer_lowered  }
0x9b: {  	s22 =	simm.s32 $0x1BFF;
	s21 =	sshll.u32 s6, $0x1;
	s3 =	sadd.s32 s4, s19  }
0x9c: {  	s7 =	simm.s32 $0x0;
	s20 =	sshll.u32 s5, $0x1;
	s5 =	sadd.s32 s21, s3  }
0x9d: {  	[timem:s7], [sflag:s22] =	dma.local [hbm:s5], s20  }
0x9e: {  	_ =	swait.ge [sflag:s22], s20  }
0x9f: {  	s4 =	ssub.s32 $0x0, s20;
	[sflag:s22] =	ssyncset.done $0x0  }
0xa0: {  	[sflag:s22] =	ssyncadd.s32 s4;
	_ =	sdelay $0x1  }
0xa1: {  	s23 =	simm.s32 $0x1B8B  }
0xa2: {  	_ =	swait.ge [sflag:s23], $0x1  }
0xa3: {  	[sflag:s23] =	ssyncset.done $0x0  }
0xa4: {  	s25 =	simm.s32 $0x1B8E;
	s24 =	sld [smem:$0x3FFE];
	[sflag:s23] =	ssyncadd.s32 $0xFFFFFFFF  }
0xa5: {  	s26 =	simm.s32 $execute0_lowered;
	[smem:$0x3FD2] =	sst s25  }
0xa6: {  	s5 =	sshll.u32 s26, $0x1;
	_ =	strace $0x80000046;
	[dreg:$0x1] =	wrdreg $0xFFFFFFFF  }
0xa7: {  	s28 =	simm.s32 $_size_execute0_lowered;
	s3 =	sadd.s32 s3, s5;
	[dreg:$0x0] =	wrdreg $0x0  }
0xa8: {  	s5 =	sshll.u32 s28, $0x1;
	[dreg:$0x2] =	wrdreg s3  }
0xa9: {  	[dreg:$0x3] =	wrdreg s5  }
0xaa: {  	[dreg:$0x4] =	wrdreg $0xC0  }
0xab: {  	_ =	task [dreg:s7], $0x5FFFF  }
0xac: {  	[dreg:$0x1] =	wrdreg $0xFFFFFFFF  }
0xad: {  	[dreg:$0x0] =	wrdreg $0x60  }
0xae: {  	[dreg:$0x2] =	wrdreg s2  }
0xaf: {  	[dreg:$0x3] =	wrdreg s24  }
0xb0: {  	[dreg:$0x4] =	wrdreg $0x9  }
0xb1: {  	_ =	task.clear_ibuf [dreg:s7], $0x5FFFF;
	_ =	strace $0x90000046  }
0xb2: {  	s29 =	simm.s32 $0x9;
	_ =	strace $0x80000048  }
0xb3: {  	_ =	swait.ge [sflag:s29], $0x1  }
0xb4: {  	[sflag:s29] =	ssyncadd.s32 $0xFFFFFFFF  }
0xb5: {  	_ =	strace $0x90000048  }
0xb6: {  	_ =	sfence  }
0xb7: {  	s30 =	sld [smem:$0x0];
	_ =	sdelay $0x2  }
0xb8: {  	s31 =	sshll.u32 s1, $0xD;
	s1 =	sshrl.u32 s1, $0x2  }
0xb9: {  	s3 =	sand.u32 $0x4000, s31;
	s1 =	sadd.s32 s1, s30  }
0xba: {  	s0 =	sor.u32 s3, s0;
	s1 =	sshll.u32 s1, $0x11  }
0xbb: {  	s0 =	sor.u32 s1, s0  }
0xbc: {  	s0 =	sadd.s32 $0x8F2B, s0  }
0xbd: {  	[sflag:s0] =	ssyncadd.remote.s32 $0x1  }
0xbe: {  	_ =	sfence.sel $0xFFFF  }
0xbf: {  	[dreg:$0x0] =	wrdreg $0xFFFFFFFF;
	(pc) =	sbr.abs _section_cstart, $3  }
0xc0: {  	[dreg:$0x1] =	wrdreg $0xFFFFFFFF  }
0xc1: {  	_ =	task.clear_ibuf [dreg:s7], $0x2FFFF;
	_ =	strace $0x9FFFFFFF  }
0xc2: {  	(tm) =	ssettm $0x7FFFFFFF  }
0xc3: {  	_ =	shalt  }
tec
execute0_lowered:
.L_overlay_start_1:
0x0: {  	(tag) =	ssettag $0x1  }
0x1: {  	s1 =	srdreg.scid;
	s0 =	stileid.u32  }
0x2: {  	s30 =	sand.u32 $0x1, s1;
	s31 =	sshll.u32 s0, $0x1  }
0x3: {  	s1 =	sor.u32 s30, s31  }
0x4: {  	s3 =	rddreg [dreg:$0x0];
	s4 =	smul.u32 $0x18000, s1  }
0x5: {  	s5 =	rddreg [dreg:$0x1];
	s2 =	simm.s32 $0x0  }
0x6: {  	[smem:$0x7FF] =	sst s2;
	s6 =	sshrl.u32 s4, $0x3  }
0x7: {  	s1 =	rddreg [dreg:$0x2];
	s20 =	sadd.s32 s3, s6  }
0x8: {  	_ =	strace $0x80000047;
	s4 =	simm.s32 $0x1;
	s3 =	sadd.s32 $0xA0000, s20  }
0x9: {  	[tilespmem:s2], [sflag:$0x1] =	stream.linear.gather [hbm4b:s3+s2], $0x8000, $0x38;
	[tilespmem:$0x10000] =	vst v63  }
0xa: {  	_ =	swait.ge [sflag:s4], $0x8000  }
0xb: {  	s24 =	sadd.s32 s6, s5;
	[sflag:s4] =	ssyncset.done $0x0  }
0xc: {  	s5 =	sadd.s32 $0x400, s24;
	[sflag:s4] =	ssyncadd.s32 $0xFFFF8000  }
0xd: {  	[hbm4b:s5+s2] =	stream.linear.scatter [tilespmem:s2], [sflag:$0x3], $0x8000, $0x38;
	[tilespmem:$0x10000] =	vst v63  }
0xe: {  	s6 =	sadd.s32 $0x60400, s24  }
0xf: {  	[hbm4b:s6+s2] =	stream.linear.scatter [tilespmem:s2], [sflag:$0x4], $0x8000, $0x38;
	[tilespmem:$0x10000] =	vst v63  }
0x10: {  	s7 =	sadd.s32 $0xC0400, s24  }
0x11: {  	[hbm4b:s7+s2] =	stream.linear.scatter [tilespmem:s2], [sflag:$0x5], $0x8000, $0x38;
	[tilespmem:$0x10000] =	vst v63  }
0x12: {  	s8 =	sadd.s32 $0x120400, s24  }
0x13: {  	[hbm4b:s8+s2] =	stream.linear.scatter [tilespmem:s2], [sflag:$0x6], $0x8000, $0x38;
	[tilespmem:$0x10000] =	vst v63  }
0x14: {  	s10 =	simm.s32 $0x8000;
	s11 =	simm.s32 $0x2;
	s9 =	sadd.s32 $0xA1000, s20  }
0x15: {  	[tilespmem:s10], [sflag:$0x2] =	stream.linear.gather [hbm4b:s9+s2], $0x8000, $0x38;
	[tilespmem:$0x10000] =	vst v63  }
0x16: {  	_ =	swait.ge [sflag:s11], $0x8000  }
0x17: {  	[sflag:s11] =	ssyncset.done $0x0  }
0x18: {  	s12 =	sadd.s32 $0x1400, s24;
	[sflag:s11] =	ssyncadd.s32 $0xFFFF8000  }
0x19: {  	[hbm4b:s12+s2] =	stream.linear.scatter [tilespmem:s10], [sflag:$0x7], $0x8000, $0x38;
	[tilespmem:$0x10000] =	vst v63  }
0x1a: {  	s13 =	sadd.s32 $0x61400, s24  }
0x1b: {  	[hbm4b:s13+s2] =	stream.linear.scatter [tilespmem:s10], [sflag:$0x8], $0x8000, $0x38;
	[tilespmem:$0x10000] =	vst v63  }
0x1c: {  	s14 =	sadd.s32 $0xC1400, s24  }
0x1d: {  	[hbm4b:s14+s2] =	stream.linear.scatter [tilespmem:s10], [sflag:$0x9], $0x8000, $0x38;
	[tilespmem:$0x10000] =	vst v63  }
0x1e: {  	s16 =	simm.s32 $0x3;
	s15 =	sadd.s32 $0x121400, s24  }
0x1f: {  	[hbm4b:s15+s2] =	stream.linear.scatter [tilespmem:s10], [sflag:$0xA], $0x8000, $0x38;
	[tilespmem:$0x10000] =	vst v63  }
0x20: {  	_ =	swait.ge [sflag:s16], $0x8000  }
0x21: {  	[sflag:s16] =	ssyncset.done $0x0  }
0x22: {  	s17 =	simm.s32 $0x4;
	[sflag:s16] =	ssyncadd.s32 $0xFFFF8000  }
0x23: {  	_ =	swait.ge [sflag:s17], $0x8000  }
0x24: {  	[sflag:s17] =	ssyncset.done $0x0  }
0x25: {  	s18 =	simm.s32 $0x5;
	[sflag:s17] =	ssyncadd.s32 $0xFFFF8000  }
0x26: {  	_ =	swait.ge [sflag:s18], $0x8000  }
0x27: {  	[sflag:s18] =	ssyncset.done $0x0  }
0x28: {  	s19 =	simm.s32 $0x6;
	[sflag:s18] =	ssyncadd.s32 $0xFFFF8000  }
0x29: {  	_ =	swait.ge [sflag:s19], $0x8000  }
0x2a: {  	[sflag:s19] =	ssyncset.done $0x0  }
0x2b: {  	s20 =	sadd.s32 $0xA2000, s20;
	[sflag:s19] =	ssyncadd.s32 $0xFFFF8000  }
0x2c: {  	[tilespmem:s2], [sflag:$0x1] =	stream.linear.gather [hbm4b:s20+s2], $0x8000, $0x38;
	[tilespmem:$0x10000] =	vst v63  }
0x2d: {  	_ =	swait.ge [sflag:s4], $0x8000  }
0x2e: {  	[sflag:s4] =	ssyncset.done $0x0  }
0x2f: {  	s21 =	sadd.s32 $0x2400, s24;
	[sflag:s4] =	ssyncadd.s32 $0xFFFF8000  }
0x30: {  	[hbm4b:s21+s2] =	stream.linear.scatter [tilespmem:s2], [sflag:$0x3], $0x8000, $0x38;
	[tilespmem:$0x10000] =	vst v63  }
0x31: {  	s22 =	sadd.s32 $0x62400, s24  }
0x32: {  	[hbm4b:s22+s2] =	stream.linear.scatter [tilespmem:s2], [sflag:$0x4], $0x8000, $0x38;
	[tilespmem:$0x10000] =	vst v63  }
0x33: {  	s23 =	sadd.s32 $0xC2400, s24  }
0x34: {  	[hbm4b:s23+s2] =	stream.linear.scatter [tilespmem:s2], [sflag:$0x5], $0x8000, $0x38;
	[tilespmem:$0x10000] =	vst v63  }
0x35: {  	s25 =	simm.s32 $0x7;
	s24 =	sadd.s32 $0x122400, s24  }
0x36: {  	[hbm4b:s24+s2] =	stream.linear.scatter [tilespmem:s2], [sflag:$0x6], $0x8000, $0x38;
	[tilespmem:$0x10000] =	vst v63  }
0x37: {  	_ =	swait.ge [sflag:s25], $0x8000  }
0x38: {  	[sflag:s25] =	ssyncset.done $0x0  }
0x39: {  	s26 =	simm.s32 $0x8;
	[sflag:s25] =	ssyncadd.s32 $0xFFFF8000  }
0x3a: {  	_ =	swait.ge [sflag:s26], $0x8000  }
0x3b: {  	[sflag:s26] =	ssyncset.done $0x0  }
0x3c: {  	s28 =	simm.s32 $0x9;
	[sflag:s26] =	ssyncadd.s32 $0xFFFF8000  }
0x3d: {  	_ =	swait.ge [sflag:s28], $0x8000  }
0x3e: {  	[sflag:s28] =	ssyncset.done $0x0  }
0x3f: {  	s29 =	simm.s32 $0xA;
	[sflag:s28] =	ssyncadd.s32 $0xFFFF8000  }
0x40: {  	_ =	swait.ge [sflag:s29], $0x8000  }
0x41: {  	[sflag:s29] =	ssyncset.done $0x0  }
0x42: {  	[sflag:s29] =	ssyncadd.s32 $0xFFFF8000  }
0x43: {  	_ =	swait.ge [sflag:s16], $0x8000  }
0x44: {  	s30 =	ssub.s32 $0x2, s30;
	[sflag:s16] =	ssyncset.done $0x0  }
0x45: {  	s31 =	sshrl.u32 s30, $0x1;
	[sflag:s16] =	ssyncadd.s32 $0xFFFF8000  }
0x46: {  	s30 =	ssub.s32 s30, s31;
	_ =	swait.ge [sflag:s17], $0x8000  }
0x47: {  	s30 =	smax.u32 s30, $0x1;
	[sflag:s17] =	ssyncset.done $0x0  }
0x48: {  	p0 =	sne.s32 s30, $0x1;
	[sflag:s17] =	ssyncadd.s32 $0xFFFF8000  }
.Ltmp0:
0x49: {  	_ =	swait.ge [sflag:s18], $0x8000;
	(pc) =	sbr.rel @!p0 .LBB2_2-.Ltmp0, $4  }
0x4a: {  	[sflag:s18] =	ssyncset.done $0x0  }
0x4b: {  	[sflag:s18] =	ssyncadd.s32 $0xFFFF8000  }
0x4c: {  	_ =	swait.ge [sflag:s19], $0x8000  }
0x4d: {  	s30 =	sadd.s32 $0xFFFFFFFF, s30;
	[sflag:s19] =	ssyncset.done $0x0  }
.LBB2_1:
0x4e: {  	p0 =	sne.s32 s30, $0x1;
	s30 =	sadd.s32 $0xFFFFFFFF, s30;
	[sflag:s19] =	ssyncadd.s32 $0xFFFF8000  }
0x4f: {  	[tilespmem:s2], [sflag:$0x1] =	stream.linear.gather [hbm4b:s3+s2], $0x8000, $0x38;
	[tilespmem:$0x10000] =	vst v63  }
0x50: {  	_ =	swait.ge [sflag:s4], $0x8000  }
0x51: {  	[sflag:s4] =	ssyncset.done $0x0  }
0x52: {  	[sflag:s4] =	ssyncadd.s32 $0xFFFF8000  }
0x53: {  	[hbm4b:s5+s2] =	stream.linear.scatter [tilespmem:s2], [sflag:$0x3], $0x8000, $0x38;
	[tilespmem:$0x10000] =	vst v63  }
0x54: {  	_ = 	snop  }
0x55: {  	[hbm4b:s6+s2] =	stream.linear.scatter [tilespmem:s2], [sflag:$0x4], $0x8000, $0x38;
	[tilespmem:$0x10000] =	vst v63  }
0x56: {  	_ = 	snop  }
0x57: {  	[hbm4b:s7+s2] =	stream.linear.scatter [tilespmem:s2], [sflag:$0x5], $0x8000, $0x38;
	[tilespmem:$0x10000] =	vst v63  }
0x58: {  	_ = 	snop  }
0x59: {  	[hbm4b:s8+s2] =	stream.linear.scatter [tilespmem:s2], [sflag:$0x6], $0x8000, $0x38;
	[tilespmem:$0x10000] =	vst v63  }
0x5a: {  	_ = 	snop  }
0x5b: {  	[tilespmem:s10], [sflag:$0x2] =	stream.linear.gather [hbm4b:s9+s2], $0x8000, $0x38;
	[tilespmem:$0x10000] =	vst v63  }
0x5c: {  	_ =	swait.ge [sflag:s11], $0x8000  }
0x5d: {  	[sflag:s11] =	ssyncset.done $0x0  }
0x5e: {  	[sflag:s11] =	ssyncadd.s32 $0xFFFF8000  }
0x5f: {  	[hbm4b:s12+s2] =	stream.linear.scatter [tilespmem:s10], [sflag:$0x7], $0x8000, $0x38;
	[tilespmem:$0x10000] =	vst v63  }
0x60: {  	_ = 	snop  }
0x61: {  	[hbm4b:s13+s2] =	stream.linear.scatter [tilespmem:s10], [sflag:$0x8], $0x8000, $0x38;
	[tilespmem:$0x10000] =	vst v63  }
0x62: {  	_ = 	snop  }
0x63: {  	[hbm4b:s14+s2] =	stream.linear.scatter [tilespmem:s10], [sflag:$0x9], $0x8000, $0x38;
	[tilespmem:$0x10000] =	vst v63  }
0x64: {  	_ = 	snop  }
0x65: {  	[hbm4b:s15+s2] =	stream.linear.scatter [tilespmem:s10], [sflag:$0xA], $0x8000, $0x38;
	[tilespmem:$0x10000] =	vst v63  }
0x66: {  	_ =	swait.ge [sflag:s16], $0x8000  }
0x67: {  	[sflag:s16] =	ssyncset.done $0x0  }
0x68: {  	[sflag:s16] =	ssyncadd.s32 $0xFFFF8000  }
0x69: {  	_ =	swait.ge [sflag:s17], $0x8000  }
0x6a: {  	[sflag:s17] =	ssyncset.done $0x0  }
0x6b: {  	[sflag:s17] =	ssyncadd.s32 $0xFFFF8000  }
0x6c: {  	_ =	swait.ge [sflag:s18], $0x8000  }
0x6d: {  	[sflag:s18] =	ssyncset.done $0x0  }
0x6e: {  	[sflag:s18] =	ssyncadd.s32 $0xFFFF8000  }
0x6f: {  	_ =	swait.ge [sflag:s19], $0x8000  }
0x70: {  	[sflag:s19] =	ssyncset.done $0x0  }
0x71: {  	[sflag:s19] =	ssyncadd.s32 $0xFFFF8000  }
0x72: {  	[tilespmem:s2], [sflag:$0x1] =	stream.linear.gather [hbm4b:s20+s2], $0x8000, $0x38;
	[tilespmem:$0x10000] =	vst v63  }
0x73: {  	_ =	swait.ge [sflag:s4], $0x8000  }
0x74: {  	[sflag:s4] =	ssyncset.done $0x0  }
0x75: {  	[sflag:s4] =	ssyncadd.s32 $0xFFFF8000  }
0x76: {  	[hbm4b:s21+s2] =	stream.linear.scatter [tilespmem:s2], [sflag:$0x3], $0x8000, $0x38;
	[tilespmem:$0x10000] =	vst v63  }
0x77: {  	_ = 	snop  }
0x78: {  	[hbm4b:s22+s2] =	stream.linear.scatter [tilespmem:s2], [sflag:$0x4], $0x8000, $0x38;
	[tilespmem:$0x10000] =	vst v63  }
0x79: {  	_ = 	snop  }
0x7a: {  	[hbm4b:s23+s2] =	stream.linear.scatter [tilespmem:s2], [sflag:$0x5], $0x8000, $0x38;
	[tilespmem:$0x10000] =	vst v63  }
0x7b: {  	_ = 	snop  }
0x7c: {  	[hbm4b:s24+s2] =	stream.linear.scatter [tilespmem:s2], [sflag:$0x6], $0x8000, $0x38;
	[tilespmem:$0x10000] =	vst v63  }
0x7d: {  	_ =	swait.ge [sflag:s25], $0x8000  }
0x7e: {  	[sflag:s25] =	ssyncset.done $0x0  }
0x7f: {  	[sflag:s25] =	ssyncadd.s32 $0xFFFF8000  }
0x80: {  	_ =	swait.ge [sflag:s26], $0x8000  }
0x81: {  	[sflag:s26] =	ssyncset.done $0x0  }
0x82: {  	[sflag:s26] =	ssyncadd.s32 $0xFFFF8000  }
0x83: {  	_ =	swait.ge [sflag:s28], $0x8000  }
0x84: {  	[sflag:s28] =	ssyncset.done $0x0  }
0x85: {  	[sflag:s28] =	ssyncadd.s32 $0xFFFF8000  }
0x86: {  	_ =	swait.ge [sflag:s29], $0x8000  }
0x87: {  	[sflag:s29] =	ssyncset.done $0x0  }
0x88: {  	[sflag:s29] =	ssyncadd.s32 $0xFFFF8000  }
0x89: {  	_ =	swait.ge [sflag:s16], $0x8000  }
0x8a: {  	[sflag:s16] =	ssyncset.done $0x0  }
0x8b: {  	[sflag:s16] =	ssyncadd.s32 $0xFFFF8000  }
0x8c: {  	_ =	swait.ge [sflag:s17], $0x8000  }
0x8d: {  	[sflag:s17] =	ssyncset.done $0x0  }
0x8e: {  	[sflag:s17] =	ssyncadd.s32 $0xFFFF8000  }
.Ltmp1:
0x8f: {  	_ =	swait.ge [sflag:s18], $0x8000;
	(pc) =	sbr.rel @p0 .LBB2_1-.Ltmp1, $4  }
0x90: {  	[sflag:s18] =	ssyncset.done $0x0  }
0x91: {  	[sflag:s18] =	ssyncadd.s32 $0xFFFF8000  }
0x92: {  	_ =	swait.ge [sflag:s19], $0x8000  }
0x93: {  	[sflag:s19] =	ssyncset.done $0x0  }
.LBB2_2:
0x94: {  	[sflag:s19] =	ssyncadd.s32 $0xFFFF8000  }
0x95: {  	_ =	sfence.sel $0x180000  }
0x96: {  	[bflag:$0x0] =	sbarrier.arrive $0xFFFF  }
0x97: {  	p0 =	sne.s32 s0, $0x0;
	_ =	strace $0x90000047  }
0x98: {  	s0 =	sadd.s32 @!p0 $0x100000, s1;
	[bflag:$0x2] =	sbarrier.arrive $0xFFFF  }
0x99: {  	[sflag:s0] =	ssyncadd.tile.s32 @!p0 $0x1;
	_ =	shalt  }
.Lfunc_end2:
_tile_overlayer_lowered:
.L_overlay_start_2:
0x9a: {  	(tag) =	ssettag $0x2  }
0x9b: {  	s0 =	rddreg [dreg:$0x0];
	s2 =	stileid.u32  }
0x9c: {  	s1 =	rddreg [dreg:$0x1];
	p0 =	sne.s32 s2, $0x0  }
0x9d: {  	s3 =	rddreg [dreg:$0x2];
	[bflag:$0x3] =	sbarrier.arrive $0xFFFF;
	s2 =	simm.s32 @!p0 $0x1C0B  }
0x9e: {  	[timem:s3], [sflag:s2] =	dma.local @!p0 [hbm:s0], s1  }
0x9f: {  	s0 =	simm.s32 @!p0 $0xB  }
0xa0: {  	_ =	swait.ge @!p0 [sflag:s0], s1  }
0xa1: {  	s1 =	ssub.s32 @!p0 $0x0, s1;
	[sflag:s0] =	ssyncset.done @!p0 $0x0  }
0xa2: {  	[sflag:s0] =	ssyncadd.s32 @!p0 s1  }
0xa3: {  	[bflag:$0x3] =	sbarrier.arrive $0xFFFF  }
0xa4: {  	_ =	shalt  }

</sc_bundles>
